<compile_context>
chip_gen: v7x
topology: tpu7x:2x2x1
jax: 0.10.2.dev20260603
libtpu: 0.0.44.dev20260713+nightly
codegen_flags: <defaults>
</compile_context>

<pallas_src>
import functools

import jax
import jax.numpy as jnp
from jax import lax
from jax.experimental import pallas as pl
from jax.experimental.pallas import tpu as pltpu
from jax.experimental.pallas import tpu_sc as plsc

VOCAB = 1000000
D_MODEL = 64
SEQ = 200
BATCH = 1024
N_FLAT = BATCH * SEQ

CHUNK = 128
NBUF = 5
PF_AHEAD = 4
GA_AHEAD = 3


def _make_kernel():
    info = plsc.get_sparse_core_info()
    nc, ns = info.num_cores, info.num_subcores
    nw = nc * ns
    per_w = N_FLAT // nw
    assert N_FLAT % nw == 0 and per_w % CHUNK == 0
    n_chunks = per_w // CHUNK
    assert n_chunks % NBUF == 0
    n_outer = n_chunks // NBUF

    mesh = plsc.VectorSubcoreMesh(core_axis_name="c", subcore_axis_name="s")

    @functools.partial(
        pl.kernel,
        mesh=mesh,
        out_type=jax.ShapeDtypeStruct((N_FLAT, D_MODEL), jnp.float32),
        scratch_types=[
            pltpu.VMEM((per_w,), jnp.int32),
            [pltpu.VMEM((CHUNK, D_MODEL), jnp.float32) for _ in range(NBUF)],
            [pltpu.SemaphoreType.DMA for _ in range(NBUF)],
            [pltpu.SemaphoreType.DMA for _ in range(NBUF)],
            [pltpu.SemaphoreType.DMA for _ in range(NBUF)],
        ],
        compiler_params=pltpu.CompilerParams(use_tc_tiling_on_sc=False),
    )
    def emb_kernel(x_hbm, tab_hbm, pos2_hbm, out_hbm, idx_v, bufs, psems,
                   gsems, ssems):
        wid = lax.axis_index("s") * nc + lax.axis_index("c")
        base = wid * per_w
        pltpu.sync_copy(x_hbm.at[pl.ds(base, per_w)], idx_v)

        def pf_start(c, b):
            t0 = lax.rem(c * CHUNK, SEQ)
            pltpu.async_copy(pos2_hbm.at[pl.ds(t0, CHUNK)], bufs[b], psems[b])

        def pf_wait(b):
            pltpu.make_async_copy(
                pos2_hbm.at[pl.ds(0, CHUNK)], bufs[b], psems[b]
            ).wait()

        def ga_start(c, b):
            off = pl.multiple_of(c * CHUNK, CHUNK)
            pltpu.async_copy(
                tab_hbm.at[idx_v.at[pl.ds(off, CHUNK)]], bufs[b], gsems[b],
                add=True,
            )

        def ga_wait(b):
            pltpu.make_async_copy(
                tab_hbm.at[idx_v.at[pl.ds(0, CHUNK)]], bufs[b], gsems[b]
            ).wait()

        def store_start(c, b):
            off = pl.multiple_of(c * CHUNK, CHUNK)
            pltpu.async_copy(bufs[b], out_hbm.at[pl.ds(base + off, CHUNK)],
                             ssems[b])

        def store_wait(b):
            pltpu.make_async_copy(
                bufs[b], out_hbm.at[pl.ds(base, CHUNK)], ssems[b]
            ).wait()

        for c in range(PF_AHEAD):
            pf_start(c, c)
        for c in range(GA_AHEAD):
            pf_wait(c)
            ga_start(c, c)

        def outer(c0, carry):
            for b in range(NBUF):
                c = c0 * NBUF + b

                ga_wait(b)
                store_start(c, b)

                bg = (b + GA_AHEAD) % NBUF
                if b < NBUF - GA_AHEAD:
                    pf_wait(bg)
                    ga_start(c + GA_AHEAD, bg)
                else:
                    @pl.when(c0 < n_outer - 1)
                    def _():
                        pf_wait(bg)
                        ga_start(c + GA_AHEAD, bg)

                bp = (b + PF_AHEAD) % NBUF
                if b >= 1:
                    store_wait(bp)
                else:
                    @pl.when(c0 >= 1)
                    def _():
                        store_wait(bp)

                if b < NBUF - PF_AHEAD:
                    pf_start(c + PF_AHEAD, bp)
                else:
                    @pl.when(c0 < n_outer - 1)
                    def _():
                        pf_start(c + PF_AHEAD, bp)
            return carry

        lax.fori_loop(0, n_outer, outer, 0, unroll=False)
        store_wait((n_chunks - 1) % NBUF)

    return emb_kernel


_emb_kernel = _make_kernel()


@jax.jit
def kernel(x, token_table, pos_embed):
    seq = x.shape[1]
    x_flat = x.reshape(-1).astype(jnp.int32)
    pos = pos_embed[0, :seq, :].astype(jnp.float32)
    pos2 = jnp.concatenate([pos, pos], axis=0)
    out_flat = _emb_kernel(x_flat, token_table, pos2)
    return out_flat.reshape(x.shape[0], seq, D_MODEL)

# --- scband reference (transcript-rebuilt; emitter-appended) ---
"""Pipeline reference for scband-pos-embedding-77644418777870 (READ-ONLY COPY).

The authoritative reference and input builder live on the scoring server;
editing this copy changes nothing except your own understanding.
"""

import jax, jax.numpy as jnp
import numpy as np

VOCAB = 1000000
D_MODEL = 64
MAX_LEN = 512


def make_pos_encoding(max_len, d_model):
    pos = jnp.arange(max_len, dtype=jnp.float32)[:, None]
    i = jnp.arange(0, d_model, 2, dtype=jnp.float32)
    den = jnp.power(10000.0, i / d_model)
    ang = pos / den[None, :]
    pe = jnp.zeros((max_len, d_model), dtype=jnp.float32)
    pe = pe.at[:, 0::2].set(jnp.sin(ang))
    pe = pe.at[:, 1::2].set(jnp.cos(ang))
    return pe[None, :, :]


def setup_inputs(seed: int = 0) -> dict:
    key = jax.random.key(seed)
    k1, k2 = jax.random.split(key)
    x = jax.random.randint(k1, (1024, 200), 0, VOCAB)
    token_table = jax.random.normal(k2, (VOCAB, D_MODEL), dtype=jnp.float32)
    pos_embed = make_pos_encoding(MAX_LEN, D_MODEL)
    return {"x": x, "token_table": token_table, "pos_embed": pos_embed}


def reference(x, token_table, pos_embed):
    token_embeddings = jnp.take(token_table, x, axis=0)
    return token_embeddings + pos_embed[:, : x.shape[1], :]

if __name__ == "__main__":
    import jax
    _d = setup_inputs()
    print(jax.jit(kernel)(*tuple(_d.values())))

</pallas_src>

<mosaic_0001>
#map = affine_map<(d0, d1) -> (0)>
#map1 = affine_map<(d0, d1) -> (0, 0)>
module attributes {stable_mosaic.version = 14 : i64} {
  func.func @emb_kernel(%arg0: i32, %arg1: i32, %arg2: memref<204800xi32, #tpu.memory_space<hbm>>, %arg3: memref<1000000x64xf32, #tpu.memory_space<hbm>>, %arg4: memref<400x64xf32, #tpu.memory_space<hbm>>, %arg5: memref<204800x64xf32, #tpu.memory_space<hbm>>, %arg6: memref<6400xi32, #tpu.memory_space<vmem>>, %arg7: memref<128x64xf32, #tpu.memory_space<vmem>>, %arg8: memref<128x64xf32, #tpu.memory_space<vmem>>, %arg9: memref<128x64xf32, #tpu.memory_space<vmem>>, %arg10: memref<128x64xf32, #tpu.memory_space<vmem>>, %arg11: memref<128x64xf32, #tpu.memory_space<vmem>>, %arg12: memref<!tpu.dma_semaphore, #tpu.memory_space<semaphore_mem>>, %arg13: memref<!tpu.dma_semaphore, #tpu.memory_space<semaphore_mem>>, %arg14: memref<!tpu.dma_semaphore, #tpu.memory_space<semaphore_mem>>, %arg15: memref<!tpu.dma_semaphore, #tpu.memory_space<semaphore_mem>>, %arg16: memref<!tpu.dma_semaphore, #tpu.memory_space<semaphore_mem>>, %arg17: memref<!tpu.dma_semaphore, #tpu.memory_space<semaphore_mem>>, %arg18: memref<!tpu.dma_semaphore, #tpu.memory_space<semaphore_mem>>, %arg19: memref<!tpu.dma_semaphore, #tpu.memory_space<semaphore_mem>>, %arg20: memref<!tpu.dma_semaphore, #tpu.memory_space<semaphore_mem>>, %arg21: memref<!tpu.dma_semaphore, #tpu.memory_space<semaphore_mem>>, %arg22: memref<!tpu.dma_semaphore, #tpu.memory_space<semaphore_mem>>, %arg23: memref<!tpu.dma_semaphore, #tpu.memory_space<semaphore_mem>>, %arg24: memref<!tpu.dma_semaphore, #tpu.memory_space<semaphore_mem>>, %arg25: memref<!tpu.dma_semaphore, #tpu.memory_space<semaphore_mem>>, %arg26: memref<!tpu.dma_semaphore, #tpu.memory_space<semaphore_mem>>) attributes {dimension_semantics = [#tpu.dimension_semantics<core_parallel>, #tpu.dimension_semantics<subcore_parallel>], iteration_bounds = array<i64: 2, 16>, scalar_prefetch = 0 : i64, scratch_operands = 21 : i64, tpu.core_type = #tpu.core_type<sc_vector_subcore>, window_params = [{transform_indices = #map}, {transform_indices = #map1}, {transform_indices = #map1}, {transform_indices = #map1}]} {
    %mul3A = arith.constant 2 : i32
    %mul3A_0 = arith.muli %arg1, %mul3A : i32
    %add3A = arith.addi %mul3A_0, %arg0 : i32
    %mul3A_1 = arith.constant 6400 : i32
    %mul3A_2 = arith.muli %add3A, %mul3A_1 : i32
    "tpu.region"() ({
      %run_scoped3A = tpu.sem_alloc : memref<!tpu.dma_semaphore, #tpu.memory_space<semaphore_mem>>
      %dma_start3A_72 = tpu.memref_slice %arg2[%mul3A_2] : memref<204800xi32, #tpu.memory_space<hbm>> -> memref<6400xi32, #tpu.memory_space<hbm>>
      %dma_start3A_73 = tpu.memref_slice %arg2[%mul3A_2] : memref<204800xi32, #tpu.memory_space<hbm>> -> memref<6400xi32, #tpu.memory_space<hbm>>
      tpu.enqueue_dma source(%dma_start3A_73 : memref<6400xi32, #tpu.memory_space<hbm>>) target(%arg6 : memref<6400xi32, #tpu.memory_space<vmem>>) target_semaphore(%run_scoped3A : memref<!tpu.dma_semaphore, #tpu.memory_space<semaphore_mem>>)
      %dma_wait3A_74 = tpu.memref_slice %arg2[%mul3A_2] : memref<204800xi32, #tpu.memory_space<hbm>> -> memref<6400xi32, #tpu.memory_space<hbm>>
      %dma_wait3A_75 = tpu.memref_slice %arg2[%mul3A_2] : memref<204800xi32, #tpu.memory_space<hbm>> -> memref<6400xi32, #tpu.memory_space<hbm>>
      tpu.wait_dma2 semaphore(%run_scoped3A : memref<!tpu.dma_semaphore, #tpu.memory_space<semaphore_mem>>) src(%dma_wait3A_75 : memref<6400xi32, #tpu.memory_space<hbm>>) dst(%arg6 : memref<6400xi32, #tpu.memory_space<vmem>>)
      tpu.yield
    }) : () -> ()
    %rem3A = arith.constant 0 : i32
    %rem3A_3 = arith.constant 200 : i32
    %rem3A_4 = arith.remsi %rem3A, %rem3A_3 : i32
    %dma_start3A = arith.constant 0 : i32
    %dma_start3A_5 = tpu.memref_slice %arg4[%rem3A_4, %dma_start3A] : memref<400x64xf32, #tpu.memory_space<hbm>> -> memref<128x64xf32, #tpu.memory_space<hbm>>
    %dma_start3A_6 = arith.constant 0 : i32
    %dma_start3A_7 = tpu.memref_slice %arg4[%rem3A_4, %dma_start3A_6] : memref<400x64xf32, #tpu.memory_space<hbm>> -> memref<128x64xf32, #tpu.memory_space<hbm>>
    tpu.enqueue_dma source(%dma_start3A_7 : memref<128x64xf32, #tpu.memory_space<hbm>>) target(%arg7 : memref<128x64xf32, #tpu.memory_space<vmem>>) target_semaphore(%arg12 : memref<!tpu.dma_semaphore, #tpu.memory_space<semaphore_mem>>)
    %rem3A_8 = arith.constant 128 : i32
    %rem3A_9 = arith.constant 200 : i32
    %rem3A_10 = arith.remsi %rem3A_8, %rem3A_9 : i32
    %dma_start3A_11 = arith.constant 0 : i32
    %dma_start3A_12 = tpu.memref_slice %arg4[%rem3A_10, %dma_start3A_11] : memref<400x64xf32, #tpu.memory_space<hbm>> -> memref<128x64xf32, #tpu.memory_space<hbm>>
    %dma_start3A_13 = arith.constant 0 : i32
    %dma_start3A_14 = tpu.memref_slice %arg4[%rem3A_10, %dma_start3A_13] : memref<400x64xf32, #tpu.memory_space<hbm>> -> memref<128x64xf32, #tpu.memory_space<hbm>>
    tpu.enqueue_dma source(%dma_start3A_14 : memref<128x64xf32, #tpu.memory_space<hbm>>) target(%arg8 : memref<128x64xf32, #tpu.memory_space<vmem>>) target_semaphore(%arg13 : memref<!tpu.dma_semaphore, #tpu.memory_space<semaphore_mem>>)
    %rem3A_15 = arith.constant 256 : i32
    %rem3A_16 = arith.constant 200 : i32
    %rem3A_17 = arith.remsi %rem3A_15, %rem3A_16 : i32
    %dma_start3A_18 = arith.constant 0 : i32
    %dma_start3A_19 = tpu.memref_slice %arg4[%rem3A_17, %dma_start3A_18] : memref<400x64xf32, #tpu.memory_space<hbm>> -> memref<128x64xf32, #tpu.memory_space<hbm>>
    %dma_start3A_20 = arith.constant 0 : i32
    %dma_start3A_21 = tpu.memref_slice %arg4[%rem3A_17, %dma_start3A_20] : memref<400x64xf32, #tpu.memory_space<hbm>> -> memref<128x64xf32, #tpu.memory_space<hbm>>
    tpu.enqueue_dma source(%dma_start3A_21 : memref<128x64xf32, #tpu.memory_space<hbm>>) target(%arg9 : memref<128x64xf32, #tpu.memory_space<vmem>>) target_semaphore(%arg14 : memref<!tpu.dma_semaphore, #tpu.memory_space<semaphore_mem>>)
    %rem3A_22 = arith.constant 384 : i32
    %rem3A_23 = arith.constant 200 : i32
    %rem3A_24 = arith.remsi %rem3A_22, %rem3A_23 : i32
    %dma_start3A_25 = arith.constant 0 : i32
    %dma_start3A_26 = tpu.memref_slice %arg4[%rem3A_24, %dma_start3A_25] : memref<400x64xf32, #tpu.memory_space<hbm>> -> memref<128x64xf32, #tpu.memory_space<hbm>>
    %dma_start3A_27 = arith.constant 0 : i32
    %dma_start3A_28 = tpu.memref_slice %arg4[%rem3A_24, %dma_start3A_27] : memref<400x64xf32, #tpu.memory_space<hbm>> -> memref<128x64xf32, #tpu.memory_space<hbm>>
    tpu.enqueue_dma source(%dma_start3A_28 : memref<128x64xf32, #tpu.memory_space<hbm>>) target(%arg10 : memref<128x64xf32, #tpu.memory_space<vmem>>) target_semaphore(%arg15 : memref<!tpu.dma_semaphore, #tpu.memory_space<semaphore_mem>>)
    %dma_wait3A = arith.constant 0 : i32
    %dma_wait3A_29 = arith.constant 0 : i32
    %dma_wait3A_30 = tpu.memref_slice %arg4[%dma_wait3A, %dma_wait3A_29] : memref<400x64xf32, #tpu.memory_space<hbm>> -> memref<128x64xf32, #tpu.memory_space<hbm>>
    %dma_wait3A_31 = arith.constant 0 : i32
    %dma_wait3A_32 = arith.constant 0 : i32
    %dma_wait3A_33 = tpu.memref_slice %arg4[%dma_wait3A_31, %dma_wait3A_32] : memref<400x64xf32, #tpu.memory_space<hbm>> -> memref<128x64xf32, #tpu.memory_space<hbm>>
    tpu.wait_dma2 semaphore(%arg12 : memref<!tpu.dma_semaphore, #tpu.memory_space<semaphore_mem>>) src(%dma_wait3A_33 : memref<128x64xf32, #tpu.memory_space<hbm>>) dst(%arg7 : memref<128x64xf32, #tpu.memory_space<vmem>>)
    %multiple_of3A = arith.constant 0 : i32
    %multiple_of3A_34 = tpu.assume_multiple %multiple_of3A, 128 : i32
    %dma_start3A_35 = tpu.memref_slice %arg6[%multiple_of3A_34] : memref<6400xi32, #tpu.memory_space<vmem>> -> memref<128xi32, #tpu.memory_space<vmem>>
    %dma_start3A_36 = arith.constant 0 : i32
    %dma_start3A_37 = arith.constant 0 : i32
    %dma_start3A_38 = tpu.memref_slice %arg3[%dma_start3A_36, %dma_start3A_37] : memref<1000000x64xf32, #tpu.memory_space<hbm>> -> memref<1000000x64xf32, #tpu.memory_space<hbm>>
    tpu.enqueue_indirect_dma source(%dma_start3A_38 : memref<1000000x64xf32, #tpu.memory_space<hbm>>) target(%arg7 : memref<128x64xf32, #tpu.memory_space<vmem>>) offsets(%dma_start3A_35 : memref<128xi32, #tpu.memory_space<vmem>>) semaphore(%arg17 : memref<!tpu.dma_semaphore, #tpu.memory_space<semaphore_mem>>) {add = true}
    %dma_wait3A_39 = arith.constant 0 : i32
    %dma_wait3A_40 = arith.constant 0 : i32
    %dma_wait3A_41 = tpu.memref_slice %arg4[%dma_wait3A_39, %dma_wait3A_40] : memref<400x64xf32, #tpu.memory_space<hbm>> -> memref<128x64xf32, #tpu.memory_space<hbm>>
    %dma_wait3A_42 = arith.constant 0 : i32
    %dma_wait3A_43 = arith.constant 0 : i32
    %dma_wait3A_44 = tpu.memref_slice %arg4[%dma_wait3A_42, %dma_wait3A_43] : memref<400x64xf32, #tpu.memory_space<hbm>> -> memref<128x64xf32, #tpu.memory_space<hbm>>
    tpu.wait_dma2 semaphore(%arg13 : memref<!tpu.dma_semaphore, #tpu.memory_space<semaphore_mem>>) src(%dma_wait3A_44 : memref<128x64xf32, #tpu.memory_space<hbm>>) dst(%arg8 : memref<128x64xf32, #tpu.memory_space<vmem>>)
    %multiple_of3A_45 = arith.constant 128 : i32
    %multiple_of3A_46 = tpu.assume_multiple %multiple_of3A_45, 128 : i32
    %dma_start3A_47 = tpu.memref_slice %arg6[%multiple_of3A_46] : memref<6400xi32, #tpu.memory_space<vmem>> -> memref<128xi32, #tpu.memory_space<vmem>>
    %dma_start3A_48 = arith.constant 0 : i32
    %dma_start3A_49 = arith.constant 0 : i32
    %dma_start3A_50 = tpu.memref_slice %arg3[%dma_start3A_48, %dma_start3A_49] : memref<1000000x64xf32, #tpu.memory_space<hbm>> -> memref<1000000x64xf32, #tpu.memory_space<hbm>>
    tpu.enqueue_indirect_dma source(%dma_start3A_50 : memref<1000000x64xf32, #tpu.memory_space<hbm>>) target(%arg8 : memref<128x64xf32, #tpu.memory_space<vmem>>) offsets(%dma_start3A_47 : memref<128xi32, #tpu.memory_space<vmem>>) semaphore(%arg18 : memref<!tpu.dma_semaphore, #tpu.memory_space<semaphore_mem>>) {add = true}
    %dma_wait3A_51 = arith.constant 0 : i32
    %dma_wait3A_52 = arith.constant 0 : i32
    %dma_wait3A_53 = tpu.memref_slice %arg4[%dma_wait3A_51, %dma_wait3A_52] : memref<400x64xf32, #tpu.memory_space<hbm>> -> memref<128x64xf32, #tpu.memory_space<hbm>>
    %dma_wait3A_54 = arith.constant 0 : i32
    %dma_wait3A_55 = arith.constant 0 : i32
    %dma_wait3A_56 = tpu.memref_slice %arg4[%dma_wait3A_54, %dma_wait3A_55] : memref<400x64xf32, #tpu.memory_space<hbm>> -> memref<128x64xf32, #tpu.memory_space<hbm>>
    tpu.wait_dma2 semaphore(%arg14 : memref<!tpu.dma_semaphore, #tpu.memory_space<semaphore_mem>>) src(%dma_wait3A_56 : memref<128x64xf32, #tpu.memory_space<hbm>>) dst(%arg9 : memref<128x64xf32, #tpu.memory_space<vmem>>)
    %multiple_of3A_57 = arith.constant 256 : i32
    %multiple_of3A_58 = tpu.assume_multiple %multiple_of3A_57, 128 : i32
    %dma_start3A_59 = tpu.memref_slice %arg6[%multiple_of3A_58] : memref<6400xi32, #tpu.memory_space<vmem>> -> memref<128xi32, #tpu.memory_space<vmem>>
    %dma_start3A_60 = arith.constant 0 : i32
    %dma_start3A_61 = arith.constant 0 : i32
    %dma_start3A_62 = tpu.memref_slice %arg3[%dma_start3A_60, %dma_start3A_61] : memref<1000000x64xf32, #tpu.memory_space<hbm>> -> memref<1000000x64xf32, #tpu.memory_space<hbm>>
    tpu.enqueue_indirect_dma source(%dma_start3A_62 : memref<1000000x64xf32, #tpu.memory_space<hbm>>) target(%arg9 : memref<128x64xf32, #tpu.memory_space<vmem>>) offsets(%dma_start3A_59 : memref<128xi32, #tpu.memory_space<vmem>>) semaphore(%arg19 : memref<!tpu.dma_semaphore, #tpu.memory_space<semaphore_mem>>) {add = true}
    %scan3A = arith.constant 0 : i32
    %scan3A_63 = arith.constant 0 : i32
    %scan3A_64 = arith.constant 10 : i32
    %scan3A_65 = arith.addi %scan3A_63, %scan3A_64 : i32
    %scan3A_66 = arith.constant 1 : i32
    scf.for %scan3A_72 = %scan3A_63 to %scan3A_65 step %scan3A_66  : i32 {
      %mul3A_73 = arith.constant 5 : i32
      %mul3A_74 = arith.muli %scan3A_72, %mul3A_73 : i32
      %add3A_75 = arith.constant 0 : i32
      %add3A_76 = arith.addi %mul3A_74, %add3A_75 : i32
      %dma_wait3A_77 = arith.constant 0 : i32
      %dma_wait3A_78 = tpu.memref_slice %arg6[%dma_wait3A_77] : memref<6400xi32, #tpu.memory_space<vmem>> -> memref<128xi32, #tpu.memory_space<vmem>>
      %dma_wait3A_79 = arith.constant 0 : i32
      %dma_wait3A_80 = arith.constant 0 : i32
      %dma_wait3A_81 = tpu.memref_slice %arg3[%dma_wait3A_79, %dma_wait3A_80] : memref<1000000x64xf32, #tpu.memory_space<hbm>> -> memref<1000000x64xf32, #tpu.memory_space<hbm>>
      tpu.wait_indirect_dma semaphore(%arg17 : memref<!tpu.dma_semaphore, #tpu.memory_space<semaphore_mem>>) src(%dma_wait3A_81 : memref<1000000x64xf32, #tpu.memory_space<hbm>>) dst(%arg7 : memref<128x64xf32, #tpu.memory_space<vmem>>)
      %mul3A_82 = arith.constant 128 : i32
      %mul3A_83 = arith.muli %add3A_76, %mul3A_82 : i32
      %multiple_of3A_84 = tpu.assume_multiple %mul3A_83, 128 : i32
      %add3A_85 = arith.addi %mul3A_2, %multiple_of3A_84 : i32
      %dma_start3A_86 = arith.constant 0 : i32
      %dma_start3A_87 = tpu.memref_slice %arg5[%add3A_85, %dma_start3A_86] : memref<204800x64xf32, #tpu.memory_space<hbm>> -> memref<128x64xf32, #tpu.memory_space<hbm>>
      %dma_start3A_88 = arith.constant 0 : i32
      %dma_start3A_89 = tpu.memref_slice %arg5[%add3A_85, %dma_start3A_88] : memref<204800x64xf32, #tpu.memory_space<hbm>> -> memref<128x64xf32, #tpu.memory_space<hbm>>
      tpu.enqueue_dma source(%arg7 : memref<128x64xf32, #tpu.memory_space<vmem>>) target(%dma_start3A_89 : memref<128x64xf32, #tpu.memory_space<hbm>>) target_semaphore(%arg22 : memref<!tpu.dma_semaphore, #tpu.memory_space<semaphore_mem>>)
      %dma_wait3A_90 = arith.constant 0 : i32
      %dma_wait3A_91 = arith.constant 0 : i32
      %dma_wait3A_92 = tpu.memref_slice %arg4[%dma_wait3A_90, %dma_wait3A_91] : memref<400x64xf32, #tpu.memory_space<hbm>> -> memref<128x64xf32, #tpu.memory_space<hbm>>
      %dma_wait3A_93 = arith.constant 0 : i32
      %dma_wait3A_94 = arith.constant 0 : i32
      %dma_wait3A_95 = tpu.memref_slice %arg4[%dma_wait3A_93, %dma_wait3A_94] : memref<400x64xf32, #tpu.memory_space<hbm>> -> memref<128x64xf32, #tpu.memory_space<hbm>>
      tpu.wait_dma2 semaphore(%arg15 : memref<!tpu.dma_semaphore, #tpu.memory_space<semaphore_mem>>) src(%dma_wait3A_95 : memref<128x64xf32, #tpu.memory_space<hbm>>) dst(%arg10 : memref<128x64xf32, #tpu.memory_space<vmem>>)
      %add3A_96 = arith.constant 3 : i32
      %add3A_97 = arith.addi %add3A_76, %add3A_96 : i32
      %mul3A_98 = arith.constant 128 : i32
      %mul3A_99 = arith.muli %add3A_97, %mul3A_98 : i32
      %multiple_of3A_100 = tpu.assume_multiple %mul3A_99, 128 : i32
      %dma_start3A_101 = tpu.memref_slice %arg6[%multiple_of3A_100] : memref<6400xi32, #tpu.memory_space<vmem>> -> memref<128xi32, #tpu.memory_space<vmem>>
      %dma_start3A_102 = arith.constant 0 : i32
      %dma_start3A_103 = arith.constant 0 : i32
      %dma_start3A_104 = tpu.memref_slice %arg3[%dma_start3A_102, %dma_start3A_103] : memref<1000000x64xf32, #tpu.memory_space<hbm>> -> memref<1000000x64xf32, #tpu.memory_space<hbm>>
      tpu.enqueue_indirect_dma source(%dma_start3A_104 : memref<1000000x64xf32, #tpu.memory_space<hbm>>) target(%arg10 : memref<128x64xf32, #tpu.memory_space<vmem>>) offsets(%dma_start3A_101 : memref<128xi32, #tpu.memory_space<vmem>>) semaphore(%arg20 : memref<!tpu.dma_semaphore, #tpu.memory_space<semaphore_mem>>) {add = true}
      %ge3A = arith.constant 1 : i32
      %ge3A_105 = arith.cmpi sge, %scan3A_72, %ge3A : i32
      %convert_element_type3A = arith.extui %ge3A_105 : i1 to i32
      %cond3A = arith.constant 0 : i32
      %cond3A_106 = arith.cmpi ne, %convert_element_type3A, %cond3A : i32
      scf.if %cond3A_106 {
        %dma_wait3A_250 = arith.constant 0 : i32
        %dma_wait3A_251 = tpu.memref_slice %arg5[%mul3A_2, %dma_wait3A_250] : memref<204800x64xf32, #tpu.memory_space<hbm>> -> memref<128x64xf32, #tpu.memory_space<hbm>>
        %dma_wait3A_252 = arith.constant 0 : i32
        %dma_wait3A_253 = tpu.memref_slice %arg5[%mul3A_2, %dma_wait3A_252] : memref<204800x64xf32, #tpu.memory_space<hbm>> -> memref<128x64xf32, #tpu.memory_space<hbm>>
        tpu.wait_dma2 semaphore(%arg26 : memref<!tpu.dma_semaphore, #tpu.memory_space<semaphore_mem>>) src(%arg11 : memref<128x64xf32, #tpu.memory_space<vmem>>) dst(%dma_wait3A_253 : memref<128x64xf32, #tpu.memory_space<hbm>>)
      } else {
      }
      %add3A_107 = arith.constant 4 : i32
      %add3A_108 = arith.addi %add3A_76, %add3A_107 : i32
      %mul3A_109 = arith.constant 128 : i32
      %mul3A_110 = arith.muli %add3A_108, %mul3A_109 : i32
      %rem3A_111 = arith.constant 200 : i32
      %rem3A_112 = arith.remsi %mul3A_110, %rem3A_111 : i32
      %dma_start3A_113 = arith.constant 0 : i32
      %dma_start3A_114 = tpu.memref_slice %arg4[%rem3A_112, %dma_start3A_113] : memref<400x64xf32, #tpu.memory_space<hbm>> -> memref<128x64xf32, #tpu.memory_space<hbm>>
      %dma_start3A_115 = arith.constant 0 : i32
      %dma_start3A_116 = tpu.memref_slice %arg4[%rem3A_112, %dma_start3A_115] : memref<400x64xf32, #tpu.memory_space<hbm>> -> memref<128x64xf32, #tpu.memory_space<hbm>>
      tpu.enqueue_dma source(%dma_start3A_116 : memref<128x64xf32, #tpu.memory_space<hbm>>) target(%arg11 : memref<128x64xf32, #tpu.memory_space<vmem>>) target_semaphore(%arg16 : memref<!tpu.dma_semaphore, #tpu.memory_space<semaphore_mem>>)
      %mul3A_117 = arith.constant 5 : i32
      %mul3A_118 = arith.muli %scan3A_72, %mul3A_117 : i32
      %add3A_119 = arith.constant 1 : i32
      %add3A_120 = arith.addi %mul3A_118, %add3A_119 : i32
      %dma_wait3A_121 = arith.constant 0 : i32
      %dma_wait3A_122 = tpu.memref_slice %arg6[%dma_wait3A_121] : memref<6400xi32, #tpu.memory_space<vmem>> -> memref<128xi32, #tpu.memory_space<vmem>>
      %dma_wait3A_123 = arith.constant 0 : i32
      %dma_wait3A_124 = arith.constant 0 : i32
      %dma_wait3A_125 = tpu.memref_slice %arg3[%dma_wait3A_123, %dma_wait3A_124] : memref<1000000x64xf32, #tpu.memory_space<hbm>> -> memref<1000000x64xf32, #tpu.memory_space<hbm>>
      tpu.wait_indirect_dma semaphore(%arg18 : memref<!tpu.dma_semaphore, #tpu.memory_space<semaphore_mem>>) src(%dma_wait3A_125 : memref<1000000x64xf32, #tpu.memory_space<hbm>>) dst(%arg8 : memref<128x64xf32, #tpu.memory_space<vmem>>)
      %mul3A_126 = arith.constant 128 : i32
      %mul3A_127 = arith.muli %add3A_120, %mul3A_126 : i32
      %multiple_of3A_128 = tpu.assume_multiple %mul3A_127, 128 : i32
      %add3A_129 = arith.addi %mul3A_2, %multiple_of3A_128 : i32
      %dma_start3A_130 = arith.constant 0 : i32
      %dma_start3A_131 = tpu.memref_slice %arg5[%add3A_129, %dma_start3A_130] : memref<204800x64xf32, #tpu.memory_space<hbm>> -> memref<128x64xf32, #tpu.memory_space<hbm>>
      %dma_start3A_132 = arith.constant 0 : i32
      %dma_start3A_133 = tpu.memref_slice %arg5[%add3A_129, %dma_start3A_132] : memref<204800x64xf32, #tpu.memory_space<hbm>> -> memref<128x64xf32, #tpu.memory_space<hbm>>
      tpu.enqueue_dma source(%arg8 : memref<128x64xf32, #tpu.memory_space<vmem>>) target(%dma_start3A_133 : memref<128x64xf32, #tpu.memory_space<hbm>>) target_semaphore(%arg23 : memref<!tpu.dma_semaphore, #tpu.memory_space<semaphore_mem>>)
      %dma_wait3A_134 = arith.constant 0 : i32
      %dma_wait3A_135 = arith.constant 0 : i32
      %dma_wait3A_136 = tpu.memref_slice %arg4[%dma_wait3A_134, %dma_wait3A_135] : memref<400x64xf32, #tpu.memory_space<hbm>> -> memref<128x64xf32, #tpu.memory_space<hbm>>
      %dma_wait3A_137 = arith.constant 0 : i32
      %dma_wait3A_138 = arith.constant 0 : i32
      %dma_wait3A_139 = tpu.memref_slice %arg4[%dma_wait3A_137, %dma_wait3A_138] : memref<400x64xf32, #tpu.memory_space<hbm>> -> memref<128x64xf32, #tpu.memory_space<hbm>>
      tpu.wait_dma2 semaphore(%arg16 : memref<!tpu.dma_semaphore, #tpu.memory_space<semaphore_mem>>) src(%dma_wait3A_139 : memref<128x64xf32, #tpu.memory_space<hbm>>) dst(%arg11 : memref<128x64xf32, #tpu.memory_space<vmem>>)
      %add3A_140 = arith.constant 3 : i32
      %add3A_141 = arith.addi %add3A_120, %add3A_140 : i32
      %mul3A_142 = arith.constant 128 : i32
      %mul3A_143 = arith.muli %add3A_141, %mul3A_142 : i32
      %multiple_of3A_144 = tpu.assume_multiple %mul3A_143, 128 : i32
      %dma_start3A_145 = tpu.memref_slice %arg6[%multiple_of3A_144] : memref<6400xi32, #tpu.memory_space<vmem>> -> memref<128xi32, #tpu.memory_space<vmem>>
      %dma_start3A_146 = arith.constant 0 : i32
      %dma_start3A_147 = arith.constant 0 : i32
      %dma_start3A_148 = tpu.memref_slice %arg3[%dma_start3A_146, %dma_start3A_147] : memref<1000000x64xf32, #tpu.memory_space<hbm>> -> memref<1000000x64xf32, #tpu.memory_space<hbm>>
      tpu.enqueue_indirect_dma source(%dma_start3A_148 : memref<1000000x64xf32, #tpu.memory_space<hbm>>) target(%arg11 : memref<128x64xf32, #tpu.memory_space<vmem>>) offsets(%dma_start3A_145 : memref<128xi32, #tpu.memory_space<vmem>>) semaphore(%arg21 : memref<!tpu.dma_semaphore, #tpu.memory_space<semaphore_mem>>) {add = true}
      %dma_wait3A_149 = arith.constant 0 : i32
      %dma_wait3A_150 = tpu.memref_slice %arg5[%mul3A_2, %dma_wait3A_149] : memref<204800x64xf32, #tpu.memory_space<hbm>> -> memref<128x64xf32, #tpu.memory_space<hbm>>
      %dma_wait3A_151 = arith.constant 0 : i32
      %dma_wait3A_152 = tpu.memref_slice %arg5[%mul3A_2, %dma_wait3A_151] : memref<204800x64xf32, #tpu.memory_space<hbm>> -> memref<128x64xf32, #tpu.memory_space<hbm>>
      tpu.wait_dma2 semaphore(%arg22 : memref<!tpu.dma_semaphore, #tpu.memory_space<semaphore_mem>>) src(%arg7 : memref<128x64xf32, #tpu.memory_space<vmem>>) dst(%dma_wait3A_152 : memref<128x64xf32, #tpu.memory_space<hbm>>)
      %lt3A = arith.constant 9 : i32
      %lt3A_153 = arith.cmpi slt, %scan3A_72, %lt3A : i32
      %convert_element_type3A_154 = arith.extui %lt3A_153 : i1 to i32
      %cond3A_155 = arith.constant 0 : i32
      %cond3A_156 = arith.cmpi ne, %convert_element_type3A_154, %cond3A_155 : i32
      scf.if %cond3A_156 {
        %add3A_250 = arith.constant 4 : i32
        %add3A_251 = arith.addi %add3A_120, %add3A_250 : i32
        %mul3A_252 = arith.constant 128 : i32
        %mul3A_253 = arith.muli %add3A_251, %mul3A_252 : i32
        %rem3A_254 = arith.constant 200 : i32
        %rem3A_255 = arith.remsi %mul3A_253, %rem3A_254 : i32
        %dma_start3A_256 = arith.constant 0 : i32
        %dma_start3A_257 = tpu.memref_slice %arg4[%rem3A_255, %dma_start3A_256] : memref<400x64xf32, #tpu.memory_space<hbm>> -> memref<128x64xf32, #tpu.memory_space<hbm>>
        %dma_start3A_258 = arith.constant 0 : i32
        %dma_start3A_259 = tpu.memref_slice %arg4[%rem3A_255, %dma_start3A_258] : memref<400x64xf32, #tpu.memory_space<hbm>> -> memref<128x64xf32, #tpu.memory_space<hbm>>
        tpu.enqueue_dma source(%dma_start3A_259 : memref<128x64xf32, #tpu.memory_space<hbm>>) target(%arg7 : memref<128x64xf32, #tpu.memory_space<vmem>>) target_semaphore(%arg12 : memref<!tpu.dma_semaphore, #tpu.memory_space<semaphore_mem>>)
      } else {
      }
      %mul3A_157 = arith.constant 5 : i32
      %mul3A_158 = arith.muli %scan3A_72, %mul3A_157 : i32
      %add3A_159 = arith.constant 2 : i32
      %add3A_160 = arith.addi %mul3A_158, %add3A_159 : i32
      %dma_wait3A_161 = arith.constant 0 : i32
      %dma_wait3A_162 = tpu.memref_slice %arg6[%dma_wait3A_161] : memref<6400xi32, #tpu.memory_space<vmem>> -> memref<128xi32, #tpu.memory_space<vmem>>
      %dma_wait3A_163 = arith.constant 0 : i32
      %dma_wait3A_164 = arith.constant 0 : i32
      %dma_wait3A_165 = tpu.memref_slice %arg3[%dma_wait3A_163, %dma_wait3A_164] : memref<1000000x64xf32, #tpu.memory_space<hbm>> -> memref<1000000x64xf32, #tpu.memory_space<hbm>>
      tpu.wait_indirect_dma semaphore(%arg19 : memref<!tpu.dma_semaphore, #tpu.memory_space<semaphore_mem>>) src(%dma_wait3A_165 : memref<1000000x64xf32, #tpu.memory_space<hbm>>) dst(%arg9 : memref<128x64xf32, #tpu.memory_space<vmem>>)
      %mul3A_166 = arith.constant 128 : i32
      %mul3A_167 = arith.muli %add3A_160, %mul3A_166 : i32
      %multiple_of3A_168 = tpu.assume_multiple %mul3A_167, 128 : i32
      %add3A_169 = arith.addi %mul3A_2, %multiple_of3A_168 : i32
      %dma_start3A_170 = arith.constant 0 : i32
      %dma_start3A_171 = tpu.memref_slice %arg5[%add3A_169, %dma_start3A_170] : memref<204800x64xf32, #tpu.memory_space<hbm>> -> memref<128x64xf32, #tpu.memory_space<hbm>>
      %dma_start3A_172 = arith.constant 0 : i32
      %dma_start3A_173 = tpu.memref_slice %arg5[%add3A_169, %dma_start3A_172] : memref<204800x64xf32, #tpu.memory_space<hbm>> -> memref<128x64xf32, #tpu.memory_space<hbm>>
      tpu.enqueue_dma source(%arg9 : memref<128x64xf32, #tpu.memory_space<vmem>>) target(%dma_start3A_173 : memref<128x64xf32, #tpu.memory_space<hbm>>) target_semaphore(%arg24 : memref<!tpu.dma_semaphore, #tpu.memory_space<semaphore_mem>>)
      %lt3A_174 = arith.constant 9 : i32
      %lt3A_175 = arith.cmpi slt, %scan3A_72, %lt3A_174 : i32
      %convert_element_type3A_176 = arith.extui %lt3A_175 : i1 to i32
      %cond3A_177 = arith.constant 0 : i32
      %cond3A_178 = arith.cmpi ne, %convert_element_type3A_176, %cond3A_177 : i32
      scf.if %cond3A_178 {
        %dma_wait3A_250 = arith.constant 0 : i32
        %dma_wait3A_251 = arith.constant 0 : i32
        %dma_wait3A_252 = tpu.memref_slice %arg4[%dma_wait3A_250, %dma_wait3A_251] : memref<400x64xf32, #tpu.memory_space<hbm>> -> memref<128x64xf32, #tpu.memory_space<hbm>>
        %dma_wait3A_253 = arith.constant 0 : i32
        %dma_wait3A_254 = arith.constant 0 : i32
        %dma_wait3A_255 = tpu.memref_slice %arg4[%dma_wait3A_253, %dma_wait3A_254] : memref<400x64xf32, #tpu.memory_space<hbm>> -> memref<128x64xf32, #tpu.memory_space<hbm>>
        tpu.wait_dma2 semaphore(%arg12 : memref<!tpu.dma_semaphore, #tpu.memory_space<semaphore_mem>>) src(%dma_wait3A_255 : memref<128x64xf32, #tpu.memory_space<hbm>>) dst(%arg7 : memref<128x64xf32, #tpu.memory_space<vmem>>)
        %add3A_256 = arith.constant 3 : i32
        %add3A_257 = arith.addi %add3A_160, %add3A_256 : i32
        %mul3A_258 = arith.constant 128 : i32
        %mul3A_259 = arith.muli %add3A_257, %mul3A_258 : i32
        %multiple_of3A_260 = tpu.assume_multiple %mul3A_259, 128 : i32
        %dma_start3A_261 = tpu.memref_slice %arg6[%multiple_of3A_260] : memref<6400xi32, #tpu.memory_space<vmem>> -> memref<128xi32, #tpu.memory_space<vmem>>
        %dma_start3A_262 = arith.constant 0 : i32
        %dma_start3A_263 = arith.constant 0 : i32
        %dma_start3A_264 = tpu.memref_slice %arg3[%dma_start3A_262, %dma_start3A_263] : memref<1000000x64xf32, #tpu.memory_space<hbm>> -> memref<1000000x64xf32, #tpu.memory_space<hbm>>
        tpu.enqueue_indirect_dma source(%dma_start3A_264 : memref<1000000x64xf32, #tpu.memory_space<hbm>>) target(%arg7 : memref<128x64xf32, #tpu.memory_space<vmem>>) offsets(%dma_start3A_261 : memref<128xi32, #tpu.memory_space<vmem>>) semaphore(%arg17 : memref<!tpu.dma_semaphore, #tpu.memory_space<semaphore_mem>>) {add = true}
      } else {
      }
      %dma_wait3A_179 = arith.constant 0 : i32
      %dma_wait3A_180 = tpu.memref_slice %arg5[%mul3A_2, %dma_wait3A_179] : memref<204800x64xf32, #tpu.memory_space<hbm>> -> memref<128x64xf32, #tpu.memory_space<hbm>>
      %dma_wait3A_181 = arith.constant 0 : i32
      %dma_wait3A_182 = tpu.memref_slice %arg5[%mul3A_2, %dma_wait3A_181] : memref<204800x64xf32, #tpu.memory_space<hbm>> -> memref<128x64xf32, #tpu.memory_space<hbm>>
      tpu.wait_dma2 semaphore(%arg23 : memref<!tpu.dma_semaphore, #tpu.memory_space<semaphore_mem>>) src(%arg8 : memref<128x64xf32, #tpu.memory_space<vmem>>) dst(%dma_wait3A_182 : memref<128x64xf32, #tpu.memory_space<hbm>>)
      %lt3A_183 = arith.constant 9 : i32
      %lt3A_184 = arith.cmpi slt, %scan3A_72, %lt3A_183 : i32
      %convert_element_type3A_185 = arith.extui %lt3A_184 : i1 to i32
      %cond3A_186 = arith.constant 0 : i32
      %cond3A_187 = arith.cmpi ne, %convert_element_type3A_185, %cond3A_186 : i32
      scf.if %cond3A_187 {
        %add3A_250 = arith.constant 4 : i32
        %add3A_251 = arith.addi %add3A_160, %add3A_250 : i32
        %mul3A_252 = arith.constant 128 : i32
        %mul3A_253 = arith.muli %add3A_251, %mul3A_252 : i32
        %rem3A_254 = arith.constant 200 : i32
        %rem3A_255 = arith.remsi %mul3A_253, %rem3A_254 : i32
        %dma_start3A_256 = arith.constant 0 : i32
        %dma_start3A_257 = tpu.memref_slice %arg4[%rem3A_255, %dma_start3A_256] : memref<400x64xf32, #tpu.memory_space<hbm>> -> memref<128x64xf32, #tpu.memory_space<hbm>>
        %dma_start3A_258 = arith.constant 0 : i32
        %dma_start3A_259 = tpu.memref_slice %arg4[%rem3A_255, %dma_start3A_258] : memref<400x64xf32, #tpu.memory_space<hbm>> -> memref<128x64xf32, #tpu.memory_space<hbm>>
        tpu.enqueue_dma source(%dma_start3A_259 : memref<128x64xf32, #tpu.memory_space<hbm>>) target(%arg8 : memref<128x64xf32, #tpu.memory_space<vmem>>) target_semaphore(%arg13 : memref<!tpu.dma_semaphore, #tpu.memory_space<semaphore_mem>>)
      } else {
      }
      %mul3A_188 = arith.constant 5 : i32
      %mul3A_189 = arith.muli %scan3A_72, %mul3A_188 : i32
      %add3A_190 = arith.constant 3 : i32
      %add3A_191 = arith.addi %mul3A_189, %add3A_190 : i32
      %dma_wait3A_192 = arith.constant 0 : i32
      %dma_wait3A_193 = tpu.memref_slice %arg6[%dma_wait3A_192] : memref<6400xi32, #tpu.memory_space<vmem>> -> memref<128xi32, #tpu.memory_space<vmem>>
      %dma_wait3A_194 = arith.constant 0 : i32
      %dma_wait3A_195 = arith.constant 0 : i32
      %dma_wait3A_196 = tpu.memref_slice %arg3[%dma_wait3A_194, %dma_wait3A_195] : memref<1000000x64xf32, #tpu.memory_space<hbm>> -> memref<1000000x64xf32, #tpu.memory_space<hbm>>
      tpu.wait_indirect_dma semaphore(%arg20 : memref<!tpu.dma_semaphore, #tpu.memory_space<semaphore_mem>>) src(%dma_wait3A_196 : memref<1000000x64xf32, #tpu.memory_space<hbm>>) dst(%arg10 : memref<128x64xf32, #tpu.memory_space<vmem>>)
      %mul3A_197 = arith.constant 128 : i32
      %mul3A_198 = arith.muli %add3A_191, %mul3A_197 : i32
      %multiple_of3A_199 = tpu.assume_multiple %mul3A_198, 128 : i32
      %add3A_200 = arith.addi %mul3A_2, %multiple_of3A_199 : i32
      %dma_start3A_201 = arith.constant 0 : i32
      %dma_start3A_202 = tpu.memref_slice %arg5[%add3A_200, %dma_start3A_201] : memref<204800x64xf32, #tpu.memory_space<hbm>> -> memref<128x64xf32, #tpu.memory_space<hbm>>
      %dma_start3A_203 = arith.constant 0 : i32
      %dma_start3A_204 = tpu.memref_slice %arg5[%add3A_200, %dma_start3A_203] : memref<204800x64xf32, #tpu.memory_space<hbm>> -> memref<128x64xf32, #tpu.memory_space<hbm>>
      tpu.enqueue_dma source(%arg10 : memref<128x64xf32, #tpu.memory_space<vmem>>) target(%dma_start3A_204 : memref<128x64xf32, #tpu.memory_space<hbm>>) target_semaphore(%arg25 : memref<!tpu.dma_semaphore, #tpu.memory_space<semaphore_mem>>)
      %lt3A_205 = arith.constant 9 : i32
      %lt3A_206 = arith.cmpi slt, %scan3A_72, %lt3A_205 : i32
      %convert_element_type3A_207 = arith.extui %lt3A_206 : i1 to i32
      %cond3A_208 = arith.constant 0 : i32
      %cond3A_209 = arith.cmpi ne, %convert_element_type3A_207, %cond3A_208 : i32
      scf.if %cond3A_209 {
        %dma_wait3A_250 = arith.constant 0 : i32
        %dma_wait3A_251 = arith.constant 0 : i32
        %dma_wait3A_252 = tpu.memref_slice %arg4[%dma_wait3A_250, %dma_wait3A_251] : memref<400x64xf32, #tpu.memory_space<hbm>> -> memref<128x64xf32, #tpu.memory_space<hbm>>
        %dma_wait3A_253 = arith.constant 0 : i32
        %dma_wait3A_254 = arith.constant 0 : i32
        %dma_wait3A_255 = tpu.memref_slice %arg4[%dma_wait3A_253, %dma_wait3A_254] : memref<400x64xf32, #tpu.memory_space<hbm>> -> memref<128x64xf32, #tpu.memory_space<hbm>>
        tpu.wait_dma2 semaphore(%arg13 : memref<!tpu.dma_semaphore, #tpu.memory_space<semaphore_mem>>) src(%dma_wait3A_255 : memref<128x64xf32, #tpu.memory_space<hbm>>) dst(%arg8 : memref<128x64xf32, #tpu.memory_space<vmem>>)
        %add3A_256 = arith.constant 3 : i32
        %add3A_257 = arith.addi %add3A_191, %add3A_256 : i32
        %mul3A_258 = arith.constant 128 : i32
        %mul3A_259 = arith.muli %add3A_257, %mul3A_258 : i32
        %multiple_of3A_260 = tpu.assume_multiple %mul3A_259, 128 : i32
        %dma_start3A_261 = tpu.memref_slice %arg6[%multiple_of3A_260] : memref<6400xi32, #tpu.memory_space<vmem>> -> memref<128xi32, #tpu.memory_space<vmem>>
        %dma_start3A_262 = arith.constant 0 : i32
        %dma_start3A_263 = arith.constant 0 : i32
        %dma_start3A_264 = tpu.memref_slice %arg3[%dma_start3A_262, %dma_start3A_263] : memref<1000000x64xf32, #tpu.memory_space<hbm>> -> memref<1000000x64xf32, #tpu.memory_space<hbm>>
        tpu.enqueue_indirect_dma source(%dma_start3A_264 : memref<1000000x64xf32, #tpu.memory_space<hbm>>) target(%arg8 : memref<128x64xf32, #tpu.memory_space<vmem>>) offsets(%dma_start3A_261 : memref<128xi32, #tpu.memory_space<vmem>>) semaphore(%arg18 : memref<!tpu.dma_semaphore, #tpu.memory_space<semaphore_mem>>) {add = true}
      } else {
      }
      %dma_wait3A_210 = arith.constant 0 : i32
      %dma_wait3A_211 = tpu.memref_slice %arg5[%mul3A_2, %dma_wait3A_210] : memref<204800x64xf32, #tpu.memory_space<hbm>> -> memref<128x64xf32, #tpu.memory_space<hbm>>
      %dma_wait3A_212 = arith.constant 0 : i32
      %dma_wait3A_213 = tpu.memref_slice %arg5[%mul3A_2, %dma_wait3A_212] : memref<204800x64xf32, #tpu.memory_space<hbm>> -> memref<128x64xf32, #tpu.memory_space<hbm>>
      tpu.wait_dma2 semaphore(%arg24 : memref<!tpu.dma_semaphore, #tpu.memory_space<semaphore_mem>>) src(%arg9 : memref<128x64xf32, #tpu.memory_space<vmem>>) dst(%dma_wait3A_213 : memref<128x64xf32, #tpu.memory_space<hbm>>)
      %lt3A_214 = arith.constant 9 : i32
      %lt3A_215 = arith.cmpi slt, %scan3A_72, %lt3A_214 : i32
      %convert_element_type3A_216 = arith.extui %lt3A_215 : i1 to i32
      %cond3A_217 = arith.constant 0 : i32
      %cond3A_218 = arith.cmpi ne, %convert_element_type3A_216, %cond3A_217 : i32
      scf.if %cond3A_218 {
        %add3A_250 = arith.constant 4 : i32
        %add3A_251 = arith.addi %add3A_191, %add3A_250 : i32
        %mul3A_252 = arith.constant 128 : i32
        %mul3A_253 = arith.muli %add3A_251, %mul3A_252 : i32
        %rem3A_254 = arith.constant 200 : i32
        %rem3A_255 = arith.remsi %mul3A_253, %rem3A_254 : i32
        %dma_start3A_256 = arith.constant 0 : i32
        %dma_start3A_257 = tpu.memref_slice %arg4[%rem3A_255, %dma_start3A_256] : memref<400x64xf32, #tpu.memory_space<hbm>> -> memref<128x64xf32, #tpu.memory_space<hbm>>
        %dma_start3A_258 = arith.constant 0 : i32
        %dma_start3A_259 = tpu.memref_slice %arg4[%rem3A_255, %dma_start3A_258] : memref<400x64xf32, #tpu.memory_space<hbm>> -> memref<128x64xf32, #tpu.memory_space<hbm>>
        tpu.enqueue_dma source(%dma_start3A_259 : memref<128x64xf32, #tpu.memory_space<hbm>>) target(%arg9 : memref<128x64xf32, #tpu.memory_space<vmem>>) target_semaphore(%arg14 : memref<!tpu.dma_semaphore, #tpu.memory_space<semaphore_mem>>)
      } else {
      }
      %mul3A_219 = arith.constant 5 : i32
      %mul3A_220 = arith.muli %scan3A_72, %mul3A_219 : i32
      %add3A_221 = arith.constant 4 : i32
      %add3A_222 = arith.addi %mul3A_220, %add3A_221 : i32
      %dma_wait3A_223 = arith.constant 0 : i32
      %dma_wait3A_224 = tpu.memref_slice %arg6[%dma_wait3A_223] : memref<6400xi32, #tpu.memory_space<vmem>> -> memref<128xi32, #tpu.memory_space<vmem>>
      %dma_wait3A_225 = arith.constant 0 : i32
      %dma_wait3A_226 = arith.constant 0 : i32
      %dma_wait3A_227 = tpu.memref_slice %arg3[%dma_wait3A_225, %dma_wait3A_226] : memref<1000000x64xf32, #tpu.memory_space<hbm>> -> memref<1000000x64xf32, #tpu.memory_space<hbm>>
      tpu.wait_indirect_dma semaphore(%arg21 : memref<!tpu.dma_semaphore, #tpu.memory_space<semaphore_mem>>) src(%dma_wait3A_227 : memref<1000000x64xf32, #tpu.memory_space<hbm>>) dst(%arg11 : memref<128x64xf32, #tpu.memory_space<vmem>>)
      %mul3A_228 = arith.constant 128 : i32
      %mul3A_229 = arith.muli %add3A_222, %mul3A_228 : i32
      %multiple_of3A_230 = tpu.assume_multiple %mul3A_229, 128 : i32
      %add3A_231 = arith.addi %mul3A_2, %multiple_of3A_230 : i32
      %dma_start3A_232 = arith.constant 0 : i32
      %dma_start3A_233 = tpu.memref_slice %arg5[%add3A_231, %dma_start3A_232] : memref<204800x64xf32, #tpu.memory_space<hbm>> -> memref<128x64xf32, #tpu.memory_space<hbm>>
      %dma_start3A_234 = arith.constant 0 : i32
      %dma_start3A_235 = tpu.memref_slice %arg5[%add3A_231, %dma_start3A_234] : memref<204800x64xf32, #tpu.memory_space<hbm>> -> memref<128x64xf32, #tpu.memory_space<hbm>>
      tpu.enqueue_dma source(%arg11 : memref<128x64xf32, #tpu.memory_space<vmem>>) target(%dma_start3A_235 : memref<128x64xf32, #tpu.memory_space<hbm>>) target_semaphore(%arg26 : memref<!tpu.dma_semaphore, #tpu.memory_space<semaphore_mem>>)
      %lt3A_236 = arith.constant 9 : i32
      %lt3A_237 = arith.cmpi slt, %scan3A_72, %lt3A_236 : i32
      %convert_element_type3A_238 = arith.extui %lt3A_237 : i1 to i32
      %cond3A_239 = arith.constant 0 : i32
      %cond3A_240 = arith.cmpi ne, %convert_element_type3A_238, %cond3A_239 : i32
      scf.if %cond3A_240 {
        %dma_wait3A_250 = arith.constant 0 : i32
        %dma_wait3A_251 = arith.constant 0 : i32
        %dma_wait3A_252 = tpu.memref_slice %arg4[%dma_wait3A_250, %dma_wait3A_251] : memref<400x64xf32, #tpu.memory_space<hbm>> -> memref<128x64xf32, #tpu.memory_space<hbm>>
        %dma_wait3A_253 = arith.constant 0 : i32
        %dma_wait3A_254 = arith.constant 0 : i32
        %dma_wait3A_255 = tpu.memref_slice %arg4[%dma_wait3A_253, %dma_wait3A_254] : memref<400x64xf32, #tpu.memory_space<hbm>> -> memref<128x64xf32, #tpu.memory_space<hbm>>
        tpu.wait_dma2 semaphore(%arg14 : memref<!tpu.dma_semaphore, #tpu.memory_space<semaphore_mem>>) src(%dma_wait3A_255 : memref<128x64xf32, #tpu.memory_space<hbm>>) dst(%arg9 : memref<128x64xf32, #tpu.memory_space<vmem>>)
        %add3A_256 = arith.constant 3 : i32
        %add3A_257 = arith.addi %add3A_222, %add3A_256 : i32
        %mul3A_258 = arith.constant 128 : i32
        %mul3A_259 = arith.muli %add3A_257, %mul3A_258 : i32
        %multiple_of3A_260 = tpu.assume_multiple %mul3A_259, 128 : i32
        %dma_start3A_261 = tpu.memref_slice %arg6[%multiple_of3A_260] : memref<6400xi32, #tpu.memory_space<vmem>> -> memref<128xi32, #tpu.memory_space<vmem>>
        %dma_start3A_262 = arith.constant 0 : i32
        %dma_start3A_263 = arith.constant 0 : i32
        %dma_start3A_264 = tpu.memref_slice %arg3[%dma_start3A_262, %dma_start3A_263] : memref<1000000x64xf32, #tpu.memory_space<hbm>> -> memref<1000000x64xf32, #tpu.memory_space<hbm>>
        tpu.enqueue_indirect_dma source(%dma_start3A_264 : memref<1000000x64xf32, #tpu.memory_space<hbm>>) target(%arg9 : memref<128x64xf32, #tpu.memory_space<vmem>>) offsets(%dma_start3A_261 : memref<128xi32, #tpu.memory_space<vmem>>) semaphore(%arg19 : memref<!tpu.dma_semaphore, #tpu.memory_space<semaphore_mem>>) {add = true}
      } else {
      }
      %dma_wait3A_241 = arith.constant 0 : i32
      %dma_wait3A_242 = tpu.memref_slice %arg5[%mul3A_2, %dma_wait3A_241] : memref<204800x64xf32, #tpu.memory_space<hbm>> -> memref<128x64xf32, #tpu.memory_space<hbm>>
      %dma_wait3A_243 = arith.constant 0 : i32
      %dma_wait3A_244 = tpu.memref_slice %arg5[%mul3A_2, %dma_wait3A_243] : memref<204800x64xf32, #tpu.memory_space<hbm>> -> memref<128x64xf32, #tpu.memory_space<hbm>>
      tpu.wait_dma2 semaphore(%arg25 : memref<!tpu.dma_semaphore, #tpu.memory_space<semaphore_mem>>) src(%arg10 : memref<128x64xf32, #tpu.memory_space<vmem>>) dst(%dma_wait3A_244 : memref<128x64xf32, #tpu.memory_space<hbm>>)
      %lt3A_245 = arith.constant 9 : i32
      %lt3A_246 = arith.cmpi slt, %scan3A_72, %lt3A_245 : i32
      %convert_element_type3A_247 = arith.extui %lt3A_246 : i1 to i32
      %cond3A_248 = arith.constant 0 : i32
      %cond3A_249 = arith.cmpi ne, %convert_element_type3A_247, %cond3A_248 : i32
      scf.if %cond3A_249 {
        %add3A_250 = arith.constant 4 : i32
        %add3A_251 = arith.addi %add3A_222, %add3A_250 : i32
        %mul3A_252 = arith.constant 128 : i32
        %mul3A_253 = arith.muli %add3A_251, %mul3A_252 : i32
        %rem3A_254 = arith.constant 200 : i32
        %rem3A_255 = arith.remsi %mul3A_253, %rem3A_254 : i32
        %dma_start3A_256 = arith.constant 0 : i32
        %dma_start3A_257 = tpu.memref_slice %arg4[%rem3A_255, %dma_start3A_256] : memref<400x64xf32, #tpu.memory_space<hbm>> -> memref<128x64xf32, #tpu.memory_space<hbm>>
        %dma_start3A_258 = arith.constant 0 : i32
        %dma_start3A_259 = tpu.memref_slice %arg4[%rem3A_255, %dma_start3A_258] : memref<400x64xf32, #tpu.memory_space<hbm>> -> memref<128x64xf32, #tpu.memory_space<hbm>>
        tpu.enqueue_dma source(%dma_start3A_259 : memref<128x64xf32, #tpu.memory_space<hbm>>) target(%arg10 : memref<128x64xf32, #tpu.memory_space<vmem>>) target_semaphore(%arg15 : memref<!tpu.dma_semaphore, #tpu.memory_space<semaphore_mem>>)
      } else {
      }
    }
    %scan3A_67 = arith.constant 10 : i32
    %dma_wait3A_68 = arith.constant 0 : i32
    %dma_wait3A_69 = tpu.memref_slice %arg5[%mul3A_2, %dma_wait3A_68] : memref<204800x64xf32, #tpu.memory_space<hbm>> -> memref<128x64xf32, #tpu.memory_space<hbm>>
    %dma_wait3A_70 = arith.constant 0 : i32
    %dma_wait3A_71 = tpu.memref_slice %arg5[%mul3A_2, %dma_wait3A_70] : memref<204800x64xf32, #tpu.memory_space<hbm>> -> memref<128x64xf32, #tpu.memory_space<hbm>>
    tpu.wait_dma2 semaphore(%arg26 : memref<!tpu.dma_semaphore, #tpu.memory_space<semaphore_mem>>) src(%arg11 : memref<128x64xf32, #tpu.memory_space<vmem>>) dst(%dma_wait3A_71 : memref<128x64xf32, #tpu.memory_space<hbm>>)
    return
  }
}

</mosaic_0001>

<sc_bundles>
// kernel: kernel.3.cloned.1.call-start
scs
__scs_entry_jumppad:
0x0: {  	(pc) =	sbr.rel $0x88, $3  }
0x1: {  	(tag) =	ssettag $0x0;
	lr =	simm.s32 $0x1  }
0x2: {  	[smem:$0x3F9E] =	sst lr;
	_ =	strace $0xD0000000  }
0x3: {  	_ = 	snop  }
0x4: {  	_ = 	snop  }
0x5: {  	_ = 	snop  }
0x6: {  	_ = 	snop  }
0x7: {  	_ = 	snop  }
__scs_overlays_trampoline_lowered:
0x8: {  	[smem:$0x3FAD] =	sst s0  }
0x9: {  	[smem:$0x3FAE] =	sst s1  }
0xa: {  	[smem:$0x3FAF] =	sst s2  }
0xb: {  	[smem:$0x3FB0] =	sst s3  }
0xc: {  	[smem:$0x3FB1] =	sst s4  }
0xd: {  	[smem:$0x3FB2] =	sst s5  }
0xe: {  	[smem:$0x3FB3] =	sst s6  }
0xf: {  	[smem:$0x3FB4] =	sst s7  }
0x10: {  	[smem:$0x3FB5] =	sst s8  }
0x11: {  	[smem:$0x3FB6] =	sst s9;
	s0 =	simm.s32 @!p0 $0x0  }
0x12: {  	s1 =	sld [smem:$0x3F9C];
	s0 =	simm.s32 @p0 $0x1  }
0x13: {  	[smem:$0x3FB7] =	sst s0;
	s0 =	simm.s32 @!p1 $0x0  }
0x14: {  	s2 =	sld [smem:$0x3F9B];
	s0 =	simm.s32 @p1 $0x1  }
0x15: {  	[smem:$0x3FB8] =	sst s0;
	s0 =	simm.s32 @!p2 $0x0  }
0x16: {  	s3 =	sld [smem:$0x3FDB];
	s0 =	simm.s32 @p2 $0x1  }
0x17: {  	s4 =	simm.s32 $0x1BF5;
	[smem:$0x3FBA] =	sst s0  }
0x18: {  	s0 =	sld [smem:$0x3F9D];
	_ =	swait.ge [sflag:s4], $0x0  }
0x19: {  	s7 =	sld [smem:$0x3F9E]  }
0x1a: {  	s8 =	sadd.s32 $0xFFFFE003, lr  }
0x1b: {  	s9 =	sadd.s32 $0xFFFFFEF7, lr;
	s5 =	simm.s32 $0xFFFFFFFF;
	p2 =	slt.u32 s8, $0xFFFFF086  }
0x1c: {  	p1 =	slt.u32 s9, $0xF7A;
	s5 =	simm.s32 @!p2 $0x0  }
0x1d: {  	s5 =	simm.s32 @p1 $0x1;
	p0 =	seq.s32 s7, s2  }
0x1e: {  	s7 =	smul.u32 @!p0 $0xF7A, s2;
	p2 =	seq.s32 @!p0 s5, $0x0  }
0x1f: {  	s9 =	smul.u32 $0xF7A, s1;
	s8 =	simm.s32 @!p0 $0x1BF5;
	p2 =	por !p2, p0  }
0x20: {  	[sflag:s8] =	ssyncset.s32 @!p0 $0xFFFFF086;
	s6 =	sadd.s32 @!p0 s3, s7;
	s7 =	simm.s32 @!p0 $0x108  }
0x21: {  	s3 =	sadd.s32 s3, s9;
	s6 =	sadd.s32 @!p0 $0x88, s6;
	s7 =	simm.s32 @p2 $0x1082  }
0x22: {  	[simem:s7], [sflag:s8] =	dma.local @!p0 [hbm:s6], $0xF7A  }
0x23: {  	s9 =	sor.u32 $0xD0000000, s2;
	s6 =	simm.s32 $0x108;
	_ =	swait.ge @!p0 [sflag:s8], $0x0  }
0x24: {  	s3 =	sadd.s32 $0x88, s3;
	s6 =	simm.s32 @!p1 $0x1082;
	[sflag:s4] =	ssyncset.s32 $0xFFFFF086  }
0x25: {  	[simem:s6], [sflag:s4] =	dma.local [hbm:s3], $0xF7A  }
0x26: {  	[smem:$0x3F9E] =	sst s1;
	(tag) =	ssettag s2;
	_ =	strace s9  }
0x27: {  	s1 =	sld [smem:$0x3FAE]  }
0x28: {  	s2 =	sld [smem:$0x3FAF]  }
0x29: {  	s4 =	sld [smem:$0x3FB1]  }
0x2a: {  	p0 =	seq.s32 s5, $0x0;
	s5 =	sld [smem:$0x3FB2]  }
0x2b: {  	s6 =	sld [smem:$0x3FB3]  }
0x2c: {  	s7 =	sld [smem:$0x3FB4]  }
0x2d: {  	s3 =	simm.s32 $0x108;
	s8 =	sld [smem:$0x3FB5]  }
0x2e: {  	s3 =	simm.s32 @!p0 $0x1082;
	s9 =	sld [smem:$0x3FB6]  }
0x2f: {  	lr =	sadd.s32 s0, s3;
	s0 =	sld [smem:$0x3FAD]  }
0x30: {  	s3 =	sld [smem:$0x3FB0]  }
0x31: {  	[smem:$0x3FB9] =	sst s10  }
0x32: {  	s10 =	sld [smem:$0x3FB7];
	_ =	sdelay $0x3  }
0x33: {  	p0 =	seq.s32 s10, $0x1;
	s10 =	sld [smem:$0x3FB9];
	_ =	sdelay $0x3  }
0x34: {  	[smem:$0x3FB9] =	sst s10  }
0x35: {  	s10 =	sld [smem:$0x3FB8];
	_ =	sdelay $0x3  }
0x36: {  	p1 =	seq.s32 s10, $0x1;
	s10 =	sld [smem:$0x3FB9];
	_ =	sdelay $0x3  }
0x37: {  	[smem:$0x3FB9] =	sst s10  }
0x38: {  	s10 =	sld [smem:$0x3FBA]  }
0x39: {  	_ = 	snop;
	(pc) =	sbr.ind lr, $3  }
0x3a: {  	_ = 	snop  }
0x3b: {  	_ = 	snop  }
0x3c: {  	p2 =	seq.s32 s10, $0x1;
	s10 =	sld [smem:$0x3FB9]  }
0x3d: {  	_ =	shalt  }
0x3e: {  	_ =	shalt  }
0x3f: {  	_ =	shalt  }
0x40: {  	_ =	shalt  }
0x41: {  	_ =	shalt  }
0x42: {  	_ =	shalt  }
0x43: {  	_ =	shalt  }
0x44: {  	_ =	shalt  }
0x45: {  	_ =	shalt  }
0x46: {  	_ =	shalt  }
0x47: {  	_ =	shalt  }
0x48: {  	_ =	shalt  }
0x49: {  	_ =	shalt  }
0x4a: {  	_ =	shalt  }
0x4b: {  	_ =	shalt  }
0x4c: {  	_ =	shalt  }
0x4d: {  	_ =	shalt  }
0x4e: {  	_ =	shalt  }
0x4f: {  	_ =	shalt  }
0x50: {  	_ =	shalt  }
0x51: {  	_ =	shalt  }
0x52: {  	_ =	shalt  }
0x53: {  	_ =	shalt  }
0x54: {  	_ =	shalt  }
0x55: {  	_ =	shalt  }
0x56: {  	_ =	shalt  }
0x57: {  	_ =	shalt  }
0x58: {  	_ =	shalt  }
0x59: {  	_ =	shalt  }
0x5a: {  	_ =	shalt  }
0x5b: {  	_ =	shalt  }
0x5c: {  	_ =	shalt  }
0x5d: {  	_ =	shalt  }
0x5e: {  	_ =	shalt  }
0x5f: {  	_ =	shalt  }
0x60: {  	_ =	shalt  }
0x61: {  	_ =	shalt  }
0x62: {  	_ =	shalt  }
0x63: {  	_ =	shalt  }
0x64: {  	_ =	shalt  }
0x65: {  	_ =	shalt  }
0x66: {  	_ =	shalt  }
0x67: {  	_ =	shalt  }
0x68: {  	_ =	shalt  }
0x69: {  	_ =	shalt  }
0x6a: {  	_ =	shalt  }
0x6b: {  	_ =	shalt  }
0x6c: {  	_ =	shalt  }
0x6d: {  	_ =	shalt  }
0x6e: {  	_ =	shalt  }
0x6f: {  	_ =	shalt  }
0x70: {  	_ =	shalt  }
0x71: {  	_ =	shalt  }
0x72: {  	_ =	shalt  }
0x73: {  	_ =	shalt  }
0x74: {  	_ =	shalt  }
0x75: {  	_ =	shalt  }
0x76: {  	_ =	shalt  }
0x77: {  	_ =	shalt  }
0x78: {  	_ =	shalt  }
0x79: {  	_ =	shalt  }
0x7a: {  	_ =	shalt  }
0x7b: {  	_ =	shalt  }
0x7c: {  	_ =	shalt  }
0x7d: {  	_ =	shalt  }
0x7e: {  	_ =	shalt  }
0x7f: {  	_ =	shalt  }
0x80: {  	_ =	shalt  }
0x81: {  	_ =	shalt  }
0x82: {  	_ =	shalt  }
0x83: {  	_ =	shalt  }
0x84: {  	_ =	shalt  }
0x85: {  	_ =	shalt  }
0x86: {  	_ =	shalt  }
0x87: {  	_ =	shalt  }
.Lfunc_end0:
.L_simem_size_0:
called_computation.1_lowered:
.L_overlay_start_0:
0x88: {  	s2 =	sld [smem:$0x3FD9]  }
0x89: {  	s3 =	sld [smem:$0x3FFE];
	_ =	sdelay $0x1  }
0x8a: {  	s1 =	srdreg.scid  }
0x8b: {  	s0 =	sand.u32 $0x1, s1  }
0x8c: {  	s17 =	sshll.u32 s0, $0xA;
	s2 =	sadd.s32 s3, s2  }
0x8d: {  	s2 =	sadd.s32 s2, s17  }
0x8e: {  	[smem:$0x3FC5] =	sst s2  }
0x8f: {  	_ = 	snop  }
0x90: {  	s2 =	sld [smem:$0x3FD0];
	(tm) =	ssettm $0x1  }
0x91: {  	s18 =	sld [smem:$0x3FFB];
	_ =	sdelay $0x3  }
0x92: {  	_ =	strace s18  }
0x93: {  	s3 =	sld [smem:$0x3FFC];
	_ =	sdelay $0x3  }
0x94: {  	_ =	strace s3  }
0x95: {  	s3 =	sld [smem:$0x3FFD];
	_ =	sdelay $0x3  }
0x96: {  	_ =	strace s3  }
0x97: {  	_ =	strace $0x8FFFFFFF  }
0x98: {  	s19 =	sld [smem:$0x3FDB];
	_ =	sdelay $0x1  }
0x99: {  	s4 =	simm.s32 $_scs_section_size  }
0x9a: {  	s5 =	simm.s32 $_size__tile_overlayer_lowered;
	s6 =	simm.s32 $_tile_overlayer_lowered  }
0x9b: {  	s22 =	simm.s32 $0x1BFF;
	s21 =	sshll.u32 s6, $0x1;
	s3 =	sadd.s32 s4, s19  }
0x9c: {  	s7 =	simm.s32 $0x0;
	s20 =	sshll.u32 s5, $0x1;
	s5 =	sadd.s32 s21, s3  }
0x9d: {  	[timem:s7], [sflag:s22] =	dma.local [hbm:s5], s20  }
0x9e: {  	_ =	swait.ge [sflag:s22], s20  }
0x9f: {  	s4 =	ssub.s32 $0x0, s20;
	[sflag:s22] =	ssyncset.done $0x0  }
0xa0: {  	[sflag:s22] =	ssyncadd.s32 s4;
	_ =	sdelay $0x1  }
0xa1: {  	s23 =	simm.s32 $0x1B8B  }
0xa2: {  	_ =	swait.ge [sflag:s23], $0x1  }
0xa3: {  	[sflag:s23] =	ssyncset.done $0x0  }
0xa4: {  	s25 =	simm.s32 $0x1B8E;
	s24 =	sld [smem:$0x3FFE];
	[sflag:s23] =	ssyncadd.s32 $0xFFFFFFFF  }
0xa5: {  	s26 =	simm.s32 $execute0_lowered;
	[smem:$0x3FD2] =	sst s25  }
0xa6: {  	s5 =	sshll.u32 s26, $0x1;
	_ =	strace $0x80000046;
	[dreg:$0x1] =	wrdreg $0xFFFFFFFF  }
0xa7: {  	s28 =	simm.s32 $_size_execute0_lowered;
	s3 =	sadd.s32 s3, s5;
	[dreg:$0x0] =	wrdreg $0x0  }
0xa8: {  	s5 =	sshll.u32 s28, $0x1;
	[dreg:$0x2] =	wrdreg s3  }
0xa9: {  	[dreg:$0x3] =	wrdreg s5  }
0xaa: {  	[dreg:$0x4] =	wrdreg $0xC0  }
0xab: {  	_ =	task [dreg:s7], $0x5FFFF  }
0xac: {  	[dreg:$0x1] =	wrdreg $0xFFFFFFFF  }
0xad: {  	[dreg:$0x0] =	wrdreg $0x60  }
0xae: {  	[dreg:$0x2] =	wrdreg s24  }
0xaf: {  	[dreg:$0x3] =	wrdreg s2  }
0xb0: {  	[dreg:$0x4] =	wrdreg $0x9  }
0xb1: {  	_ =	task.clear_ibuf [dreg:s7], $0x5FFFF;
	_ =	strace $0x90000046  }
0xb2: {  	s29 =	simm.s32 $0x9;
	_ =	strace $0x80000048  }
0xb3: {  	_ =	swait.ge [sflag:s29], $0x1  }
0xb4: {  	[sflag:s29] =	ssyncadd.s32 $0xFFFFFFFF  }
0xb5: {  	_ =	strace $0x90000048  }
0xb6: {  	_ =	sfence  }
0xb7: {  	s30 =	sld [smem:$0x0];
	_ =	sdelay $0x2  }
0xb8: {  	s31 =	sshll.u32 s1, $0xD;
	s1 =	sshrl.u32 s1, $0x2  }
0xb9: {  	s3 =	sand.u32 $0x4000, s31;
	s1 =	sadd.s32 s1, s30  }
0xba: {  	s0 =	sor.u32 s3, s0;
	s1 =	sshll.u32 s1, $0x11  }
0xbb: {  	s0 =	sor.u32 s1, s0  }
0xbc: {  	s0 =	sadd.s32 $0x8F2B, s0  }
0xbd: {  	[sflag:s0] =	ssyncadd.remote.s32 $0x1  }
0xbe: {  	_ =	sfence.sel $0xFFFF  }
0xbf: {  	[dreg:$0x0] =	wrdreg $0xFFFFFFFF;
	(pc) =	sbr.abs _section_cstart, $3  }
0xc0: {  	[dreg:$0x1] =	wrdreg $0xFFFFFFFF  }
0xc1: {  	_ =	task.clear_ibuf [dreg:s7], $0x2FFFF;
	_ =	strace $0x9FFFFFFF  }
0xc2: {  	(tm) =	ssettm $0x7FFFFFFF  }
0xc3: {  	_ =	shalt  }
tec
execute0_lowered:
.L_overlay_start_1:
0x0: {  	(tag) =	ssettag $0x1  }
0x1: {  	s0 =	srdreg.scid  }
0x2: {  	s11 =	stileid.u32;
	s1 =	rddreg [dreg:$0x0]  }
0x3: {  	s5 =	rddreg [dreg:$0x1];
	s16 =	simm.s32 $0x5900;
	s17 =	simm.s32 $0x7900  }
0x4: {  	s28 =	simm.s32 $0x9900;
	s29 =	simm.s32 $0x7;
	s30 =	simm.s32 $0x5  }
0x5: {  	s31 =	simm.s32 $0xB;
	s0 =	sand.u32 $0x1, s0;
	s6 =	smul.u32 $0x3200, s11  }
0x6: {  	s2 =	sshll.u32 s11, $0x1;
	s4 =	sadd.s32 $0x7200, s1;
	s22 =	smul.u32 $0x19000, s11  }
0x7: {  	s19 =	sadd.s32 $0x7600, s1;
	s3 =	sor.u32 s0, s2;
	s9 =	smul.u32 $0x1900, s0  }
0x8: {  	s2 =	simm.s32 $0x0;
	s8 =	ssub.s32 $0x2, s0;
	s0 =	smul.u32 $0xC800, s0  }
0x9: {  	s20 =	sadd.s32 $0x73C0, s1;
	s3 =	smul.u32 $0x1900, s3;
	[smem:$0x7FF] =	sst s2  }
0xa: {  	s10 =	sshrl.u32 s8, $0x1;
	_ =	strace $0x80000047;
	[dreg:$0x4] =	wrdreg s19  }
0xb: {  	s8 =	ssub.s32 s8, s10;
	s6 =	sadd.s32 s9, s6;
	[dreg:$0x5] =	wrdreg s20  }
0xc: {  	s19 =	simm.s32 $0x5900;
	s3 =	sshrl.u32 s3, $0x3;
	s6 =	sshll.u32 s6, $0x3  }
0xd: {  	s23 =	smax.u32 s8, $0x1;
	s8 =	simm.s32 $0x0;
	s7 =	sadd.s32 s3, s1  }
0xe: {  	s3 =	sadd.s32 $0xF43200, s1;
	s1 =	sadd.s32 $0x77C0, s1;
	[dreg:$0x7] =	wrdreg s23  }
0xf: {  	s21 =	sadd.s32 s5, s6;
	s7 =	sadd.s32 $0xE00, s7;
	[dreg:$0x6] =	wrdreg s1  }
0x10: {  	s5 =	sadd.s32 s22, s5;
	s24 =	sadd.s32 $0x800, s21;
	[dreg:$0x3] =	wrdreg s7  }
0x11: {  	s23 =	simm.s32 $0x7900;
	s25 =	sadd.s32 $0x400, s21;
	[dreg:$0x8] =	wrdreg s24  }
.Ltmp0:
0x12: {  	s26 =	sadd.s32 $0x1000, s21;
	[dreg:$0x9] =	wrdreg s25;
	(pc) =	sbr.rel .LBB2_1-.Ltmp0, $4  }
0x13: {  	s1 =	sadd.s32 $0xC00, s21;
	s0 =	sadd.s32 s0, s5;
	[dreg:$0xa] =	wrdreg s26  }
0x14: {  	s21 =	simm.s32 $0x80;
	s5 =	simm.s32 $0xE;
	[dreg:$0xb] =	wrdreg s1  }
0x15: {  	[dreg:$0xc] =	wrdreg s0;
	s25 =	simm.s32 $0x6;
	s26 =	simm.s32 $0x4  }
0x16: {  	s1 =	simm.s32 $0x8;
	s0 =	simm.s32 $0x9;
	s24 =	simm.s32 $0xA  }
.LBB2_4:
0x17: {  	_ =	swait.ge [sflag:s5], $0x2000  }
0x18: {  	[sflag:s5] =	ssyncset.done $0x0  }
0x19: {  	s7 =	simm.s32 $0xF;
	[sflag:s5] =	ssyncadd.s32 $0xFFFFE000  }
0x1a: {  	_ =	swait.ge [sflag:s7], $0x2000  }
0x1b: {  	s8 =	rddreg [dreg:$0xd]  }
0x1c: {  	s6 =	rddreg [dreg:$0x7];
	s8 =	sadd.s32 $0x1, s8  }
0x1d: {  	p0 =	sne.s32 s8, s6  }
.Ltmp1:
0x1e: {  	_ = 	snop;
	(pc) =	sbr.rel @!p0 .LBB2_5-.Ltmp1, $3  }
0x1f: {  	_ =	sdelay $0x1  }
0x20: {  	[sflag:s7] =	ssyncset.done $0x0  }
0x21: {  	s16 =	simm.s32 $0x5900;
	s17 =	simm.s32 $0x7900;
	[sflag:s7] =	ssyncadd.s32 $0xFFFFE000  }
.LBB2_1:
0x22: {  	[dreg:$0xd] =	wrdreg s8  }
0x23: {  	s6 =	rddreg [dreg:$0x3];
	s10 =	simm.s32 $0x10  }
0x24: {  	[tilespmem:s2], [sflag:$0x10] =	stream.linear.gather [hbm4b:s6+s2], $0x1900, $0x38;
	[tilespmem:$0xB900] =	vst v63  }
0x25: {  	_ =	swait.ge [sflag:s10], $0x1900  }
0x26: {  	[sflag:s10] =	ssyncset.done $0x0  }
0x27: {  	s7 =	simm.s32 $0x1900;
	[sflag:s10] =	ssyncadd.s32 $0xFFFFE700  }
0x28: {  	[tilespmem:s7], [sflag:$0x1] =	stream.linear.gather [hbm4b:s4+s2], $0x2000, $0x38;
	[tilespmem:$0xB900] =	vst v63  }
0x29: {  	s12 =	simm.s32 $0x3900;
	s11 =	rddreg [dreg:$0x4]  }
0x2a: {  	[tilespmem:s12], [sflag:$0x2] =	stream.linear.gather [hbm4b:s11+s2], $0x2000, $0x38;
	[tilespmem:$0xB900] =	vst v63  }
0x2b: {  	s13 =	rddreg [dreg:$0x5]  }
0x2c: {  	[tilespmem:s16], [sflag:$0x3] =	stream.linear.gather [hbm4b:s13+s2], $0x2000, $0x38;
	[tilespmem:$0xB900] =	vst v63  }
0x2d: {  	s15 =	simm.s32 $0x1;
	s14 =	rddreg [dreg:$0x6]  }
0x2e: {  	[tilespmem:s17], [sflag:$0x4] =	stream.linear.gather [hbm4b:s14+s2], $0x2000, $0x38;
	[tilespmem:$0xB900] =	vst v63  }
0x2f: {  	_ =	swait.ge [sflag:s15], $0x2000  }
0x30: {  	[sflag:s15] =	ssyncset.done $0x0  }
0x31: {  	s18 =	simm.s32 $0x2;
	[sflag:s15] =	ssyncadd.s32 $0xFFFFE000  }
0x32: {  	[tilespmem:s7], [sflag:$0x6] =	stream.indirect.gather.add.f32 [hbm:s3], $0x40, s2, s21, $0xb8;
	[tilespmem:$0xB900] =	vst v63  }
0x33: {  	_ =	swait.ge [sflag:s18], $0x2000  }
0x34: {  	[sflag:s18] =	ssyncset.done $0x0  }
0x35: {  	s20 =	simm.s32 $0x3;
	[sflag:s18] =	ssyncadd.s32 $0xFFFFE000  }
0x36: {  	[tilespmem:s12], [sflag:$0x7] =	stream.indirect.gather.add.f32 [hbm:s3], $0x40, s21, s21, $0xb8;
	[tilespmem:$0xB900] =	vst v63  }
0x37: {  	_ =	swait.ge [sflag:s20], $0x2000  }
0x38: {  	s14 =	rddreg [dreg:$0xc]  }
0x39: {  	s13 =	rddreg [dreg:$0xb]  }
0x3a: {  	s22 =	simm.s32 $0x100;
	s12 =	rddreg [dreg:$0xa]  }
0x3b: {  	s8 =	simm.s32 $0x0;
	[sflag:s20] =	ssyncset.done $0x0;
	s10 =	rddreg [dreg:$0x9]  }
0x3c: {  	s11 =	simm.s32 $0x0;
	s9 =	rddreg [dreg:$0x8];
	[sflag:s20] =	ssyncadd.s32 $0xFFFFE000  }
0x3d: {  	[tilespmem:s16], [sflag:$0x8] =	stream.indirect.gather.add.f32 [hbm:s3], $0x40, s22, s21, $0xb8;
	[tilespmem:$0xB900] =	vst v63  }
.LBB2_2:
0x3e: {  	_ =	swait.ge [sflag:s25], $0x2000;
	s20 =	sadd.s32 $0x200, s11  }
0x3f: {  	[sflag:s25] =	ssyncset.done $0x0;
	s22 =	sand.u32 $0xFFF8, s20  }
0x40: {  	s6 =	simm.s32 $0x1900;
	[sflag:s25] =	ssyncadd.s32 $0xFFFFE000;
	s22 =	sshrl.u32 s22, $0x3  }
0x41: {  	[hbm4b:s14+s2] =	stream.linear.scatter [tilespmem:s6], [sflag:$0xB], $0x2000, $0x38;
	[tilespmem:$0xB900] =	vst v63  }
0x42: {  	s22 =	smul.u32 $0x147B, s22  }
0x43: {  	s15 =	sshra.s32 s8, $0x2;
	_ =	swait.ge [sflag:s26], $0x2000  }
0x44: {  	p0 =	seq.s32 s8, $0x0;
	[sflag:s26] =	ssyncset.done $0x0;
	s7 =	sshrl.u32 s22, $0x11  }
0x45: {  	s18 =	sadd.s32 $0x180, s15;
	[sflag:s26] =	ssyncadd.s32 $0xFFFFE000;
	s6 =	smul.u32 $0xC8, s7  }
0x46: {  	[tilespmem:s17], [sflag:$0x9] =	stream.indirect.gather.add.f32 [hbm:s3], $0x40, s18, s21, $0xb8;
	[tilespmem:$0xB900] =	vst v63  }
0x47: {  	s22 =	simm.s32 @!p0 $0xF;
	s6 =	ssub.s32 s20, s6  }
0x48: {  	_ =	swait.ge @!p0 [sflag:s22], $0x2000;
	s6 =	sshll.u32 s6, $0x3  }
0x49: {  	[sflag:s22] =	ssyncset.done @!p0 $0x0;
	s6 =	sand.u32 $0xFFF8, s6  }
0x4a: {  	[sflag:s22] =	ssyncadd.s32 @!p0 $0xFFFFE000;
	p0 =	seq.s32 s8, $0x5A00;
	s6 =	sadd.s32 s6, s4  }
0x4b: {  	[tilespmem:s28], [sflag:$0x5] =	stream.linear.gather [hbm4b:s6+s2], $0x2000, $0x38;
	[tilespmem:$0xB900] =	vst v63  }
0x4c: {  	s6 =	sadd.s32 @!p0 $0x280, s11  }
0x4d: {  	_ =	swait.ge [sflag:s29], $0x2000;
	s20 =	sand.u32 @!p0 $0xFFF8, s6  }
0x4e: {  	[sflag:s29] =	ssyncset.done $0x0;
	s20 =	sshrl.u32 @!p0 s20, $0x3  }
0x4f: {  	s17 =	simm.s32 $0x3900;
	[sflag:s29] =	ssyncadd.s32 $0xFFFFE000;
	s20 =	smul.u32 @!p0 $0x147B, s20  }
0x50: {  	[hbm4b:s10+s2] =	stream.linear.scatter [tilespmem:s17], [sflag:$0xC], $0x2000, $0x38;
	[tilespmem:$0xB900] =	vst v63  }
0x51: {  	_ =	swait.ge [sflag:s30], $0x2000  }
0x52: {  	s20 =	sshrl.u32 @!p0 s20, $0x11;
	[sflag:s30] =	ssyncset.done $0x0  }
0x53: {  	s18 =	sadd.s32 $0x200, s15;
	s20 =	smul.u32 @!p0 $0xC8, s20;
	[sflag:s30] =	ssyncadd.s32 $0xFFFFE000  }
0x54: {  	[tilespmem:s28], [sflag:$0xA] =	stream.indirect.gather.add.f32 [hbm:s3], $0x40, s18, s21, $0xb8;
	[tilespmem:$0xB900] =	vst v63  }
0x55: {  	s6 =	ssub.s32 @!p0 s6, s20  }
0x56: {  	_ =	swait.ge [sflag:s31], $0x2000;
	s6 =	sshll.u32 @!p0 s6, $0x3  }
0x57: {  	s22 =	simm.s32 @!p0 $0x1900;
	[sflag:s31] =	ssyncset.done $0x0;
	s6 =	sand.u32 @!p0 $0xFFF8, s6  }
0x58: {  	s20 =	simm.s32 @!p0 $0x0;
	[sflag:s31] =	ssyncadd.s32 $0xFFFFE000;
	s6 =	sadd.s32 @!p0 s6, s4  }
0x59: {  	[tilespmem:s22], [sflag:$0x1] =	stream.linear.gather @!p0 [hbm4b:s6+s20], $0x2000, $0x38;
	[tilespmem:$0xB900] =	vst v63  }
0x5a: {  	_ =	swait.ge [sflag:s1], $0x2000  }
0x5b: {  	[sflag:s1] =	ssyncset.done $0x0  }
0x5c: {  	s6 =	simm.s32 @p0 $0xC;
	[sflag:s1] =	ssyncadd.s32 $0xFFFFE000  }
0x5d: {  	[hbm4b:s9+s2] =	stream.linear.scatter [tilespmem:s16], [sflag:$0xD], $0x2000, $0x38;
	[tilespmem:$0xB900] =	vst v63  }
0x5e: {  	s7 =	sadd.s32 @!p0 $0x300, s11;
	_ =	swait.ge @p0 [sflag:s6], $0x2000  }
0x5f: {  	s16 =	sand.u32 @!p0 $0xFFF8, s7;
	[sflag:s6] =	ssyncset.done @p0 $0x0  }
0x60: {  	s16 =	sshrl.u32 @!p0 s16, $0x3;
	[sflag:s6] =	ssyncadd.s32 @p0 $0xFFFFE000;
	s6 =	simm.s32 @!p0 $0x1  }
0x61: {  	s16 =	smul.u32 @!p0 $0x147B, s16;
	_ =	swait.ge @!p0 [sflag:s6], $0x2000  }
0x62: {  	[sflag:s6] =	ssyncset.done @!p0 $0x0  }
0x63: {  	s16 =	sshrl.u32 @!p0 s16, $0x11;
	[sflag:s6] =	ssyncadd.s32 @!p0 $0xFFFFE000;
	s6 =	sshra.s32 @!p0 s8, $0x2  }
0x64: {  	s18 =	simm.s32 @!p0 $0x80;
	s16 =	smul.u32 @!p0 $0xC8, s16;
	s17 =	sadd.s32 @!p0 $0x280, s6  }
0x65: {  	[tilespmem:s22], [sflag:$0x6] =	stream.indirect.gather.add.f32 @!p0 [hbm:s3], $0x40, s17, s18, $0xb8;
	[tilespmem:$0xB900] =	vst v63  }
0x66: {  	s7 =	ssub.s32 @!p0 s7, s16;
	s17 =	simm.s32 @!p0 $0xC  }
0x67: {  	s7 =	sshll.u32 @!p0 s7, $0x3;
	_ =	swait.ge @!p0 [sflag:s17], $0x2000  }
0x68: {  	s7 =	sand.u32 @!p0 $0xFFF8, s7;
	[sflag:s17] =	ssyncset.done @!p0 $0x0  }
0x69: {  	s16 =	simm.s32 @!p0 $0x3900;
	s7 =	sadd.s32 @!p0 s7, s4;
	[sflag:s17] =	ssyncadd.s32 @!p0 $0xFFFFE000  }
0x6a: {  	[tilespmem:s16], [sflag:$0x2] =	stream.linear.gather @!p0 [hbm4b:s7+s20], $0x2000, $0x38;
	[tilespmem:$0xB900] =	vst v63  }
0x6b: {  	_ =	swait.ge [sflag:s0], $0x2000  }
0x6c: {  	[sflag:s0] =	ssyncset.done $0x0  }
0x6d: {  	s17 =	sadd.s32 @!p0 $0x380, s11;
	s7 =	simm.s32 @p0 $0xD;
	[sflag:s0] =	ssyncadd.s32 $0xFFFFE000  }
0x6e: {  	[hbm4b:s13+s2] =	stream.linear.scatter [tilespmem:s23], [sflag:$0xE], $0x2000, $0x38;
	[tilespmem:$0xB900] =	vst v63  }
0x6f: {  	s22 =	sand.u32 @!p0 $0xFFF8, s17;
	_ =	swait.ge @p0 [sflag:s7], $0x2000  }
0x70: {  	s22 =	sshrl.u32 @!p0 s22, $0x3;
	[sflag:s7] =	ssyncset.done @p0 $0x0  }
0x71: {  	s22 =	smul.u32 @!p0 $0x147B, s22;
	[sflag:s7] =	ssyncadd.s32 @p0 $0xFFFFE000;
	s7 =	simm.s32 @!p0 $0x2  }
0x72: {  	_ =	swait.ge @!p0 [sflag:s7], $0x2000  }
0x73: {  	s22 =	sshrl.u32 @!p0 s22, $0x11;
	[sflag:s7] =	ssyncset.done @!p0 $0x0  }
0x74: {  	s6 =	sadd.s32 @!p0 $0x300, s6;
	[sflag:s7] =	ssyncadd.s32 @!p0 $0xFFFFE000;
	s7 =	smul.u32 @!p0 $0xC8, s22  }
0x75: {  	[tilespmem:s16], [sflag:$0x7] =	stream.indirect.gather.add.f32 @!p0 [hbm:s3], $0x40, s6, s18, $0xb8;
	[tilespmem:$0xB900] =	vst v63  }
0x76: {  	s6 =	ssub.s32 @!p0 s17, s7;
	s7 =	simm.s32 @!p0 $0xD  }
0x77: {  	_ =	swait.ge @!p0 [sflag:s7], $0x2000;
	s6 =	sshll.u32 @!p0 s6, $0x3  }
0x78: {  	[sflag:s7] =	ssyncset.done @!p0 $0x0;
	s6 =	sand.u32 @!p0 $0xFFF8, s6  }
0x79: {  	[sflag:s7] =	ssyncadd.s32 @!p0 $0xFFFFE000;
	s6 =	sadd.s32 @!p0 s6, s4;
	s7 =	simm.s32 @!p0 $0x5900  }
0x7a: {  	[tilespmem:s7], [sflag:$0x3] =	stream.linear.gather @!p0 [hbm4b:s6+s20], $0x2000, $0x38;
	[tilespmem:$0xB900] =	vst v63  }
.Ltmp2:
0x7b: {  	_ = 	snop;
	(pc) =	sbr.rel @p0 .LBB2_4-.Ltmp2, $4  }
0x7c: {  	_ =	swait.ge [sflag:s24], $0x2000  }
0x7d: {  	[sflag:s24] =	ssyncset.done $0x0  }
0x7e: {  	[sflag:s24] =	ssyncadd.s32 $0xFFFFE000  }
0x7f: {  	[hbm4b:s12+s2] =	stream.linear.scatter [tilespmem:s28], [sflag:$0xF], $0x2000, $0x38;
	[tilespmem:$0xB900] =	vst v63  }
0x80: {  	s6 =	sadd.s32 $0x400, s11  }
0x81: {  	s7 =	sand.u32 $0xFFF8, s6  }
0x82: {  	s16 =	simm.s32 $0x3;
	s7 =	sshrl.u32 s7, $0x3  }
0x83: {  	s15 =	sadd.s32 $0x380, s15;
	s8 =	sadd.s32 $0xA00, s8;
	s7 =	smul.u32 $0x147B, s7  }
0x84: {  	s9 =	sadd.s32 $0x1400, s9;
	s10 =	sadd.s32 $0x1400, s10;
	_ =	swait.ge [sflag:s16], $0x2000  }
0x85: {  	s11 =	sadd.s32 $0x280, s11;
	[sflag:s16] =	ssyncset.done $0x0;
	s7 =	sshrl.u32 s7, $0x11  }
0x86: {  	s12 =	sadd.s32 $0x1400, s12;
	[sflag:s16] =	ssyncadd.s32 $0xFFFFE000;
	s7 =	smul.u32 $0xC8, s7  }
0x87: {  	[tilespmem:s19], [sflag:$0x8] =	stream.indirect.gather.add.f32 [hbm:s3], $0x40, s15, s21, $0xb8;
	[tilespmem:$0xB900] =	vst v63  }
.Ltmp3:
0x88: {  	s13 =	sadd.s32 $0x1400, s13;
	s6 =	ssub.s32 s6, s7;
	(pc) =	sbr.rel .LBB2_2-.Ltmp3, $4  }
0x89: {  	s14 =	sadd.s32 $0x1400, s14;
	_ =	swait.ge [sflag:s5], $0x2000;
	s6 =	sshll.u32 s6, $0x3  }
0x8a: {  	s17 =	simm.s32 $0x7900;
	[sflag:s5] =	ssyncset.done $0x0;
	s6 =	sand.u32 $0xFFF8, s6  }
0x8b: {  	s16 =	simm.s32 $0x5900;
	[sflag:s5] =	ssyncadd.s32 $0xFFFFE000;
	s6 =	sadd.s32 s6, s4  }
0x8c: {  	[tilespmem:s23], [sflag:$0x4] =	stream.linear.gather [hbm4b:s6+s2], $0x2000, $0x38;
	[tilespmem:$0xB900] =	vst v63  }
.LBB2_5:
0x8d: {  	_ =	sfence.sel $0x180000  }
0x8e: {  	[bflag:$0x0] =	sbarrier.arrive $0xFFFF  }
0x8f: {  	_ =	strace $0x90000047  }
0x90: {  	s0 =	stileid.u32;
	[bflag:$0x2] =	sbarrier.arrive $0xFFFF  }
0x91: {  	p0 =	sne.s32 s0, $0x0;
	s0 =	rddreg [dreg:$0x2]  }
0x92: {  	s0 =	sadd.s32 @!p0 $0x100000, s0  }
0x93: {  	[sflag:s0] =	ssyncadd.tile.s32 @!p0 $0x1;
	_ =	shalt  }
.Lfunc_end2:
_tile_overlayer_lowered:
.L_overlay_start_2:
0x94: {  	(tag) =	ssettag $0x2  }
0x95: {  	s0 =	rddreg [dreg:$0x0];
	s2 =	stileid.u32  }
0x96: {  	s1 =	rddreg [dreg:$0x1];
	p0 =	sne.s32 s2, $0x0  }
0x97: {  	s3 =	rddreg [dreg:$0x2];
	[bflag:$0x3] =	sbarrier.arrive $0xFFFF;
	s2 =	simm.s32 @!p0 $0x1C10  }
0x98: {  	[timem:s3], [sflag:s2] =	dma.local @!p0 [hbm:s0], s1  }
0x99: {  	s0 =	simm.s32 @!p0 $0x10  }
0x9a: {  	_ =	swait.ge @!p0 [sflag:s0], s1  }
0x9b: {  	s1 =	ssub.s32 @!p0 $0x0, s1;
	[sflag:s0] =	ssyncset.done @!p0 $0x0  }
0x9c: {  	[sflag:s0] =	ssyncadd.s32 @!p0 s1  }
0x9d: {  	[bflag:$0x3] =	sbarrier.arrive $0xFFFF  }
0x9e: {  	_ =	shalt  }

// kernel: sparse-core-data-format-call.cloned.1.call-start
scs
called_computation_lowered:
.L_overlay_start_0:
0x0: {  	s2 =	sld [smem:$0x3FD9]  }
0x1: {  	s3 =	sld [smem:$0x3FFE];
	_ =	sdelay $0x1  }
0x2: {  	s1 =	srdreg.scid  }
0x3: {  	s0 =	sand.u32 $0x1, s1  }
0x4: {  	s18 =	sshll.u32 s0, $0xA;
	s2 =	sadd.s32 s3, s2  }
0x5: {  	s2 =	sadd.s32 s2, s18  }
0x6: {  	[smem:$0x3FC5] =	sst s2  }
0x7: {  	_ = 	snop  }
0x8: {  	s2 =	sld [smem:$0x3FD0];
	(tm) =	ssettm $0x1  }
0x9: {  	s19 =	sld [smem:$0x3FFB];
	_ =	sdelay $0x3  }
0xa: {  	_ =	strace s19  }
0xb: {  	s3 =	sld [smem:$0x3FFC];
	_ =	sdelay $0x3  }
0xc: {  	_ =	strace s3  }
0xd: {  	s3 =	sld [smem:$0x3FFD];
	_ =	sdelay $0x3  }
0xe: {  	_ =	strace s3  }
0xf: {  	_ =	strace $0x8FFFFFFF  }
0x10: {  	s20 =	sld [smem:$0x3FDB];
	_ =	sdelay $0x1  }
0x11: {  	s4 =	simm.s32 $_scs_section_size  }
0x12: {  	s5 =	simm.s32 $_size__tile_overlayer_lowered;
	s6 =	simm.s32 $_tile_overlayer_lowered  }
0x13: {  	s23 =	simm.s32 $0x1BFF;
	s22 =	sshll.u32 s6, $0x1;
	s3 =	sadd.s32 s4, s20  }
0x14: {  	s7 =	simm.s32 $0x0;
	s21 =	sshll.u32 s5, $0x1;
	s5 =	sadd.s32 s22, s3  }
0x15: {  	[timem:s7], [sflag:s23] =	dma.local [hbm:s5], s21  }
0x16: {  	_ =	swait.ge [sflag:s23], s21  }
0x17: {  	s4 =	ssub.s32 $0x0, s21;
	[sflag:s23] =	ssyncset.done $0x0  }
0x18: {  	[sflag:s23] =	ssyncadd.s32 s4;
	_ =	sdelay $0x1  }
0x19: {  	s24 =	simm.s32 $0x1B8B  }
0x1a: {  	_ =	swait.ge [sflag:s24], $0x1  }
0x1b: {  	[sflag:s24] =	ssyncset.done $0x0  }
0x1c: {  	s26 =	simm.s32 $0x1B8E;
	s25 =	sld [smem:$0x3FFE];
	[sflag:s24] =	ssyncadd.s32 $0xFFFFFFFF  }
0x1d: {  	s27 =	simm.s32 $execute0_lowered;
	[smem:$0x3FD2] =	sst s26  }
0x1e: {  	s5 =	sshll.u32 s27, $0x1;
	_ =	strace $0x80000049;
	[dreg:$0x1] =	wrdreg $0xFFFFFFFF  }
0x1f: {  	s28 =	simm.s32 $_size_execute0_lowered;
	s3 =	sadd.s32 s3, s5;
	[dreg:$0x0] =	wrdreg $0x0  }
0x20: {  	s5 =	sshll.u32 s28, $0x1;
	[dreg:$0x2] =	wrdreg s3  }
0x21: {  	[dreg:$0x3] =	wrdreg s5  }
0x22: {  	[dreg:$0x4] =	wrdreg $0xC0  }
0x23: {  	_ =	task [dreg:s7], $0x5FFFF  }
0x24: {  	[dreg:$0x1] =	wrdreg $0xFFFFFFFF  }
0x25: {  	[dreg:$0x0] =	wrdreg $0x60  }
0x26: {  	[dreg:$0x2] =	wrdreg s25  }
0x27: {  	[dreg:$0x3] =	wrdreg s2  }
0x28: {  	[dreg:$0x4] =	wrdreg $0x9  }
0x29: {  	_ =	task.clear_ibuf [dreg:s7], $0x5FFFF;
	_ =	strace $0x90000049  }
0x2a: {  	s29 =	simm.s32 $0x9;
	_ =	strace $0x8000004B  }
0x2b: {  	_ =	swait.ge [sflag:s29], $0x1  }
0x2c: {  	[sflag:s29] =	ssyncadd.s32 $0xFFFFFFFF  }
0x2d: {  	_ =	strace $0x9000004B  }
0x2e: {  	_ =	sfence  }
0x2f: {  	s30 =	sld [smem:$0x0];
	_ =	sdelay $0x2  }
0x30: {  	s31 =	sshll.u32 s1, $0xD;
	s1 =	sshrl.u32 s1, $0x2  }
0x31: {  	s3 =	sand.u32 $0x4000, s31;
	s1 =	sadd.s32 s1, s30  }
0x32: {  	s0 =	sor.u32 s3, s0;
	s1 =	sshll.u32 s1, $0x11  }
0x33: {  	s0 =	sor.u32 s1, s0  }
0x34: {  	s0 =	sadd.s32 $0x8F2B, s0  }
0x35: {  	[sflag:s0] =	ssyncadd.remote.s32 $0x1  }
0x36: {  	_ =	sfence.sel $0xFFFF  }
0x37: {  	[dreg:$0x0] =	wrdreg $0xFFFFFFFF;
	(pc) =	sbr.abs _section_cstart, $3  }
0x38: {  	[dreg:$0x1] =	wrdreg $0xFFFFFFFF  }
0x39: {  	_ =	task.clear_ibuf [dreg:s7], $0x2FFFF;
	_ =	strace $0x9FFFFFFF  }
0x3a: {  	(tm) =	ssettm $0x7FFFFFFF  }
0x3b: {  	_ =	shalt  }
tec
execute0_lowered:
.L_overlay_start_1:
0x0: {  	(tag) =	ssettag $0x1  }
0x1: {  	s0 =	stileid.u32;
	s6 =	rddreg [dreg:$0x0]  }
0x2: {  	s2 =	rddreg [dreg:$0x1];
	s5 =	srdreg.scid  }
0x3: {  	s31 =	simm.s32 $0x2;
	s13 =	simm.s32 $0x0;
	s1 =	sshll.u32 s0, $0x7  }
0x4: {  	s14 =	simm.s32 $0x0;
	s12 =	simm.s32 $0x0;
	s3 =	sand.u32 $0x380, s1  }
0x5: {  	s5 =	sshll.u32 s5, $0x4;
	s6 =	sadd.s32 $0xE00, s6;
	s4 =	ssub.s32 $0x400, s3  }
0x6: {  	s1 =	rddreg [dreg:$0x2];
	_ =	strace $0x8000004A;
	s7 =	sand.u32 $0x380, s4  }
0x7: {  	s5 =	sand.u32 $0x10, s5;
	p0 =	sne.s32 s7, $0x0;
	s7 =	simm.s32 $0x1  }
.Ltmp0:
0x8: {  	s8 =	sshrl.u32 s4, $0xA;
	s7 =	simm.s32 @!p0 $0x0;
	(pc) =	sbr.rel .LBB1_1-.Ltmp0, $4  }
0x9: {  	s9 =	sor.u32 s0, s5;
	s4 =	simm.s32 $0x1;
	s30 =	sadd.s32 s7, s8  }
0xa: {  	s11 =	smov.u32 s3;
	[sflag:s4] =	ssyncpa.u1 $0x0;
	s5 =	smul.u32 $0x32, s30  }
0xb: {  	[sflag:s31] =	ssyncpa.u1 $0x0;
	p0 =	por $0x0, $0x0;
	s7 =	sshrl.u32 s9, $0x3  }
0xc: {  	s9 =	simm.s32 $0x2000;
	s10 =	smov.u32 s7;
	s8 =	sor.u32 $0x1, s5  }
.LBB1_4:
0xd: {  	s17 =	sand.u32 $0x1F80, s14;
	s13 =	sshll.u32 s13, $0xD  }
0xe: {  	[tilespmem:s16+$0x810 ss:$0x81] =	vst.msk $0xffff, v2;
	s18 =	sshrl.u32 s14, $0x3;
	s31 =	sand.u32 $0x7, s14;
	s17 =	sadd.s32 s2, s17  }
0xf: {  	[tilespmem:s16+$0x1020 ss:$0x81] =	vst.msk $0xffff, v0;
	s18 =	sand.u32 $0xF, s18;
	s14 =	sshll.u32 s31, $0x12;
	s13 =	sadd.s32 s13, s17  }
0x10: {  	[tilespmem:s16+$0x0 ss:$0x81] =	vst.msk $0xffff, v1;
	s14 =	sor.u32 $0x400, s14;
	s13 =	sadd.s32 s18, s13  }
0x11: {  	[hbm4b:s13+s14] =	stream.strided.scatter [tilespmem:s15], [sflag:$0x2], $0x2000, s9, s14, $0x20;
	[tilespmem:$0x8080] =	vst v63  }
.LBB1_5:
0x12: {  	s15 =	sadd.s32 $0x4, s10  }
0x13: {  	s13 =	sadd.s32 $0x400, s11;
	s17 =	smov.u32 s11;
	p2 =	sgt.s32 s15, $0xC7  }
0x14: {  	s17 =	smov.u32 @p2 s13  }
0x15: {  	s15 =	smov.u32 @p2 s7;
	p2 =	sgt.s32 s17, $0x3FF  }
0x16: {  	s17 =	smov.u32 @p2 s3;
	p2 =	sne.s32 s12, s8  }
.Ltmp1:
0x17: {  	p1 =	slt.u32 s12, $0x2;
	(pc) =	sbr.rel @!p2 .LBB1_6-.Ltmp1, $4  }
0x18: {  	s16 =	simm.s32 @!p1 $0x2  }
0x19: {  	s14 =	smov.u32 s11;
	p0 =	por !p0, !p0;
	_ =	swait.ge @!p1 [sflag:s16], $0x2000  }
0x1a: {  	s13 =	smov.u32 s10;
	[sflag:s16] =	ssyncset.done @!p1 $0x0;
	s10 =	smov.u32 s15  }
0x1b: {  	s12 =	sadd.s32 $0x1, s12;
	[sflag:s16] =	ssyncadd.s32 @!p1 $0xFFFFE000;
	s11 =	smov.u32 s17  }
.LBB1_1:
0x1c: {  	p1 =	sge.u32 s12, s5  }
0x1d: {  	s15 =	sand.u32 @!p1 $0x1FFFFFF, s10  }
0x1e: {  	s16 =	smulhi.u32 @!p1 $0x147AE15, s15;
	_ =	sdelay $0x1  }
0x1f: {  	s16 =	smul.u32 @!p1 $0xC8, s16  }
0x20: {  	s17 =	sxor.u32 @!p1 $0xFFFFFFFF, s12;
	s18 =	smul.u32 @!p1 $0xC80, s11  }
0x21: {  	s31 =	sadd.s32 $0xFFFFFFFF, s12;
	s17 =	sshll.u32 @!p1 s17, $0xD;
	s15 =	ssub.s32 @!p1 s15, s16  }
0x22: {  	s16 =	sand.u32 @!p1 $0x2000, s17;
	s17 =	sadd.s32 @!p1 s6, s18;
	s15 =	sshll.u32 @!p1 s15, $0x4  }
0x23: {  	s18 =	simm.s32 @!p1 $0x6400;
	s15 =	sadd.s32 @!p1 s15, s17;
	s17 =	simm.s32 @!p1 $0x40  }
0x24: {  	[tilespmem:s16], [sflag:$0x1] =	stream.strided.gather @!p1 [hbm4b:s15+s17], $0x2000, s18, s17, $0x38;
	[tilespmem:$0x8080] =	vst v63  }
0x25: {  	p1 =	sge.u32 s31, s5  }
.Ltmp2:
0x26: {  	_ = 	snop;
	(pc) =	sbr.rel @p1 .LBB1_5-.Ltmp2, $1  }
0x27: {  	_ =	sdelay $0x3  }
0x28: {  	s15 =	simm.s32 $0x1  }
0x29: {  	_ =	swait.ge [sflag:s4], $0x2000;
	s15 =	simm.s32 @!p0 $0x0  }
0x2a: {  	[sflag:s4] =	ssyncset.done $0x0;
	s16 =	sshll.u32 s15, $0xD  }
0x2b: {  	[sflag:s4] =	ssyncadd.s32 $0xFFFFE000;
	s19 =	sor.u32 $0x20, s16  }
0x2c: {  	s15 =	smul.u32 $0x8100, s15;
	v3 =	vld [tilespmem:s19+$0x10]  }
0x2d: {  	s30 =	sand.u32 $0x1, s12;
	v2 =	vld [tilespmem:s19+$0xFFFFFFF0]  }
0x2e: {  	s16 =	smul.u32 $0x8100, s30;
	s15 =	sshrl.u32 s15, $0x2;
	v0 =	vld [tilespmem:s19+$0x0]  }
0x2f: {  	v1 =	vld [tilespmem:s19+$0xFFFFFFE0];
	s17 =	sor.u32 $0x4000, s15  }
0x30: {  	s31 =	sshrl.u32 s16, $0x2;
	s16 =	sadd.s32 $0x0, s17  }
0x31: {  	s18 =	simm.s32 $0x4;
	s19 =	sadd.s32 $0x40, s19;
	s15 =	sor.u32 $0x4000, s31;
	[tilespmem:s16+$0x1830 ss:$0x81] =	vst.msk $0xffff, v3  }
.LBB1_3:
0x32: {  	v3 =	vld [tilespmem:s19+$0x10];
	p1 =	sne.s32 s18, $0x1FC;
	[tilespmem:s16+$0x810 ss:$0x81] =	vst.msk $0xffff, v2;
	s20 =	smov.u32 s18;
	s18 =	sadd.s32 $0x4, s18  }
.Ltmp3:
0x33: {  	v2 =	vld [tilespmem:s19+$0xFFFFFFF0];
	[tilespmem:s16+$0x1020 ss:$0x81] =	vst.msk $0xffff, v0;
	(pc) =	sbr.rel @p1 .LBB1_3-.Ltmp3, $4  }
0x34: {  	v0 =	vld [tilespmem:s19+$0x0];
	[tilespmem:s16+$0x0 ss:$0x81] =	vst.msk $0xffff, v1  }
0x35: {  	s16 =	sshra.s32 s20, $0x2;
	v1 =	vld [tilespmem:s19+$0xFFFFFFE0]  }
0x36: {  	s16 =	sadd.s32 s16, s17  }
0x37: {  	s19 =	sadd.s32 $0x40, s19;
	[tilespmem:s16+$0x1830 ss:$0x81] =	vst.msk $0xffff, v3  }
.Ltmp4:
0x38: {  	_ = 	snop;
	(pc) =	sbr.rel .LBB1_4-.Ltmp4, $1  }
0x39: {  	_ =	sdelay $0x3  }
.LBB1_6:
0x3a: {  	_ =	sfence.sel $0x180000  }
0x3b: {  	s2 =	simm.s32 $0x1;
	[bflag:$0x0] =	sbarrier.arrive $0xFFFF  }
0x3c: {  	s31 =	simm.s32 $0x2;
	[sflag:s2] =	ssyncpa.u1 $0x1  }
0x3d: {  	[sflag:s31] =	ssyncpa.u1 $0x1  }
0x3e: {  	p0 =	sne.s32 s0, $0x0;
	_ =	strace $0x9000004A  }
0x3f: {  	s0 =	sadd.s32 @!p0 $0x100000, s1;
	[bflag:$0x2] =	sbarrier.arrive $0xFFFF  }
0x40: {  	[sflag:s0] =	ssyncadd.tile.s32 @!p0 $0x1;
	_ =	shalt  }
.Lfunc_end1:
_tile_overlayer_lowered:
.L_overlay_start_2:
0x41: {  	(tag) =	ssettag $0x2  }
0x42: {  	s0 =	rddreg [dreg:$0x0];
	s2 =	stileid.u32  }
0x43: {  	s1 =	rddreg [dreg:$0x1];
	p0 =	sne.s32 s2, $0x0  }
0x44: {  	s3 =	rddreg [dreg:$0x2];
	[bflag:$0x3] =	sbarrier.arrive $0xFFFF;
	s2 =	simm.s32 @!p0 $0x1C01  }
0x45: {  	[timem:s3], [sflag:s2] =	dma.local @!p0 [hbm:s0], s1  }
0x46: {  	s0 =	simm.s32 @!p0 $0x1  }
0x47: {  	_ =	swait.ge @!p0 [sflag:s0], s1  }
0x48: {  	s1 =	ssub.s32 @!p0 $0x0, s1;
	[sflag:s0] =	ssyncset.done @!p0 $0x0  }
0x49: {  	[sflag:s0] =	ssyncadd.s32 @!p0 s1  }
0x4a: {  	[bflag:$0x3] =	sbarrier.arrive $0xFFFF  }
0x4b: {  	_ =	shalt  }

</sc_bundles>
